<compile_context>
chip_gen: v7x
topology: tpu7x:2x2x1
jax: 0.10.2.dev20260603
libtpu: 0.0.44.dev20260713+nightly
codegen_flags: <defaults>
</compile_context>

<pallas_src>
import functools

import jax
import jax.numpy as jnp
from jax import lax
from jax.experimental import pallas as pl
from jax.experimental.pallas import tpu as pltpu
from jax.experimental.pallas import tpu_sc as plsc

B, N, D = 8, 4096, 64
S, K = 1024, 32
D_MODEL, NHEAD = 256, 4
HDIM = D_MODEL // NHEAD

BS_MLP = 128


BS_TK = 64


def _topk_body(nx_ref, xt_ref, idx_ref):
    nx = nx_ref[0]
    xt = xt_ref[0]
    prod = jax.lax.dot_general(nx, xt, (((1,), (0,)), ((), ())),
                               preferred_element_type=jnp.float32)
    nxsq = jnp.sum(nx * nx, axis=1, keepdims=True)
    xsq = jnp.sum(xt * xt, axis=0, keepdims=True)
    dist = -2.0 * prod + nxsq + xsq

    lanei = lax.broadcasted_iota(jnp.int32, (BS_TK, 128), 1)
    inf = jnp.float32(jnp.inf)
    m1 = jnp.full((BS_TK, 128), inf, jnp.float32)
    m2 = m1
    i1 = jnp.zeros((BS_TK, 128), jnp.int32)
    i2 = i1
    for k in range(32):
        x = lax.slice(dist, (0, k * 128), (BS_TK, (k + 1) * 128))
        ik = lanei + (k * 128)
        lt1 = x < m1
        xs = jnp.where(lt1, m1, x)
        isp = jnp.where(lt1, i1, ik)
        m1 = jnp.where(lt1, x, m1)
        i1 = jnp.where(lt1, ik, i1)
        lt2 = xs < m2
        m2 = jnp.where(lt2, xs, m2)
        i2 = jnp.where(lt2, isp, i2)

    cv = jnp.concatenate([m1, m2], axis=1)
    ci = jnp.concatenate([i1, i2], axis=1)
    iota_k = lax.broadcasted_iota(jnp.int32, (BS_TK, K), 1)

    def body(k, carry):
        cvk, idxs = carry
        m = jnp.min(cvk, axis=1, keepdims=True)
        candi = jnp.where(cvk == m, ci, N)
        am = jnp.min(candi, axis=1, keepdims=True)
        cvk = jnp.where((cvk == m) & (ci == am), inf, cvk)
        idxs = jnp.where(iota_k == k, am, idxs)
        return cvk, idxs

    idxs0 = jnp.zeros((BS_TK, K), jnp.int32)
    _, idxs = lax.fori_loop(0, K, body, (cv, idxs0))
    idx_ref[0] = idxs


def _topk_call(nxyz, xyz_t):
    return pl.pallas_call(
        _topk_body,
        grid=(B, S // BS_TK),
        in_specs=[
            pl.BlockSpec((1, BS_TK, 3), lambda b, s: (b, s, 0)),
            pl.BlockSpec((1, 3, N), lambda b, s: (b, 0, 0)),
        ],
        out_specs=pl.BlockSpec((1, BS_TK, K), lambda b, s: (b, s, 0)),
        out_shape=jax.ShapeDtypeStruct((B, S, K), jnp.int32),
    )(nxyz, xyz_t)


_GCHUNK = 128


def _sc_gather(table, gidx):
    info = plsc.get_sparse_core_info()
    nw = info.num_cores * info.num_subcores
    total = gidx.shape[0]
    per_w = total // nw
    nchunk = per_w // _GCHUNK
    width = table.shape[1]
    mesh = plsc.VectorSubcoreMesh(core_axis_name="c", subcore_axis_name="s")

    @functools.partial(
        pl.kernel, mesh=mesh,
        out_type=jax.ShapeDtypeStruct((total, width), jnp.float32),
        scratch_types=[
            pltpu.VMEM((_GCHUNK,), jnp.int32),
            pltpu.VMEM((_GCHUNK, width), jnp.float32),
            pltpu.SemaphoreType.DMA,
        ],
    )
    def gk(table_hbm, idx_hbm, out_hbm, idx_v, rows_v, sem):
        wid = lax.axis_index("s") * info.num_cores + lax.axis_index("c")
        base = wid * per_w

        def body(i, carry):
            off = base + i * _GCHUNK
            pltpu.sync_copy(idx_hbm.at[pl.ds(off, _GCHUNK)], idx_v)
            pltpu.async_copy(table_hbm.at[idx_v], rows_v, sem).wait()
            pltpu.sync_copy(rows_v, out_hbm.at[pl.ds(off, _GCHUNK)])
            return carry

        lax.fori_loop(0, nchunk, body, 0)

    return gk(table, gidx)


def _p1_body(x_ref, p_ref, w1a_ref, w1c_ref, out_ref):
    out_ref[...] = (
        jnp.dot(x_ref[...], w1a_ref[...], preferred_element_type=jnp.float32)
        + jnp.dot(p_ref[...], w1c_ref[...], preferred_element_type=jnp.float32))


def _p1_call(xyz_flat, pts_flat, W1a, W1c):
    R = 512
    T = (B * N) // R
    return pl.pallas_call(
        _p1_body,
        grid=(T,),
        in_specs=[
            pl.BlockSpec((R, 3), lambda t: (t, 0)),
            pl.BlockSpec((R, D), lambda t: (t, 0)),
            pl.BlockSpec((3, 128), lambda t: (0, 0)),
            pl.BlockSpec((D, 128), lambda t: (0, 0)),
        ],
        out_specs=pl.BlockSpec((R, 128), lambda t: (t, 0)),
        out_shape=jax.ShapeDtypeStruct((B * N, 128), jnp.float32),
    )(xyz_flat, pts_flat, W1a, W1c)


def _mlp_body(g_ref, nx_ref, cp_ref, w1a_ref, w1bc_ref, b1_ref,
              w2_ref, b2_ref, w3_ref, b3_ref, wp1_ref, bp1_ref,
              wp2_ref, bp2_ref, out_ref):
    nx = nx_ref[...]
    cp = cp_ref[...]
    cterm = (b1_ref[...]
             - jnp.dot(nx, w1a_ref[...], preferred_element_type=jnp.float32)
             + jnp.dot(cp, w1bc_ref[...], preferred_element_type=jnp.float32))
    g = g_ref[...].reshape(BS_MLP, K, 128)
    h1 = jax.nn.relu(g + cterm[:, None, :]).reshape(BS_MLP * K, 128)
    h2 = jax.nn.relu(
        jnp.dot(h1, w2_ref[...], preferred_element_type=jnp.float32) + b2_ref[...])
    h3 = jax.nn.relu(
        jnp.dot(h2, w3_ref[...], preferred_element_type=jnp.float32) + b3_ref[...])
    feat = jnp.max(h3.reshape(BS_MLP, K, D_MODEL), axis=1)
    pos = jnp.dot(
        jax.nn.relu(jnp.dot(nx, wp1_ref[...], preferred_element_type=jnp.float32)
                    + bp1_ref[...]),
        wp2_ref[...], preferred_element_type=jnp.float32) + bp2_ref[...]
    out_ref[...] = feat + pos


def _mlp_call(g_flat, nx_flat, cp_flat, W1a, W1bc, b1, W2, b2, W3, b3,
              Wp1, bp1, Wp2, bp2):
    T = (B * S) // BS_MLP
    full = lambda shape: pl.BlockSpec(shape, lambda t: tuple(0 for _ in shape))
    return pl.pallas_call(
        _mlp_body,
        grid=(T,),
        in_specs=[
            pl.BlockSpec((BS_MLP * K, 128), lambda t: (t, 0)),
            pl.BlockSpec((BS_MLP, 3), lambda t: (t, 0)),
            pl.BlockSpec((BS_MLP, D), lambda t: (t, 0)),
            full((3, 128)), full((D, 128)), full((1, 128)),
            full((128, 128)), full((1, 128)),
            full((128, D_MODEL)), full((1, D_MODEL)),
            full((3, D_MODEL)), full((1, D_MODEL)),
            full((D_MODEL, D_MODEL)), full((1, D_MODEL)),
        ],
        out_specs=pl.BlockSpec((BS_MLP, D_MODEL), lambda t: (t, 0)),
        out_shape=jax.ShapeDtypeStruct((B * S, D_MODEL), jnp.float32),
    )(g_flat, nx_flat, cp_flat, W1a, W1bc, b1, W2, b2, W3, b3, Wp1, bp1, Wp2, bp2)


def _attn_body(x_ref, wq_ref, wk_ref, wv_ref, wm_ref, bm_ref, out_ref):
    x = x_ref[0]
    q = jnp.dot(x, wq_ref[...], preferred_element_type=jnp.float32)
    k = jnp.dot(x, wk_ref[...], preferred_element_type=jnp.float32)
    v = jnp.dot(x, wv_ref[...], preferred_element_type=jnp.float32)
    Q = jnp.where(q > 0, q + 1.0, jnp.exp(q))
    Kf = jnp.where(k > 0, k + 1.0, jnp.exp(k))
    vals = v / jnp.float32(S)
    KV = jax.lax.dot_general(Kf, vals, (((0,), (0,)), ((), ())),
                             preferred_element_type=jnp.float32)
    ksum = jnp.sum(Kf, axis=0, keepdims=True)
    e = Q * ksum
    denom = jnp.sum(e.reshape(S, NHEAD, HDIM), axis=2) + 1e-6
    z = jnp.float32(S) / denom
    outs = []
    for h in range(NHEAD):
        sl = slice(h * HDIM, (h + 1) * HDIM)
        msg_h = jnp.dot(Q[:, sl], KV[sl, sl],
                        preferred_element_type=jnp.float32)
        outs.append(msg_h * z[:, h][:, None])
    msg = jnp.concatenate(outs, axis=1)
    out_ref[0] = jnp.dot(msg, wm_ref[...],
                         preferred_element_type=jnp.float32) + bm_ref[...]


def _attn_call(x, Wq, Wk, Wv, Wm, bm):
    full = lambda shape: pl.BlockSpec(shape, lambda b: tuple(0 for _ in shape))
    return pl.pallas_call(
        _attn_body,
        grid=(B,),
        in_specs=[
            pl.BlockSpec((1, S, D_MODEL), lambda b: (b, 0, 0)),
            full((D_MODEL, D_MODEL)), full((D_MODEL, D_MODEL)),
            full((D_MODEL, D_MODEL)), full((D_MODEL, D_MODEL)),
            full((1, D_MODEL)),
        ],
        out_specs=pl.BlockSpec((1, S, D_MODEL), lambda b: (b, 0, 0)),
        out_shape=jax.ShapeDtypeStruct((B, S, D_MODEL), jnp.float32),
    )(x, Wq, Wk, Wv, Wm, bm)


def kernel(xyz, points, W1, b1, W2, b2, W3, b3, Wp1, bp1, Wp2, bp2,
           Wq, Wk, Wv, Wm, bm):
    nxyz = xyz[:, :S, :]
    xyz_t = jnp.transpose(xyz, (0, 2, 1))
    idx = _topk_call(nxyz, xyz_t)

    W1a, W1b, W1c = W1[:3], W1[3:3 + D], W1[3 + D:]
    p1 = _p1_call(xyz.reshape(B * N, 3), points.reshape(B * N, D), W1a, W1c)

    gidx = (jnp.arange(B, dtype=jnp.int32)[:, None, None] * N + idx).reshape(-1)
    g_flat = _sc_gather(p1, gidx)

    x = _mlp_call(
        g_flat,
        nxyz.reshape(B * S, 3),
        points[:, :S, :].reshape(B * S, D),
        W1a, W1b - W1c, b1.reshape(1, -1),
        W2, b2.reshape(1, -1), W3, b3.reshape(1, -1),
        Wp1, bp1.reshape(1, -1), Wp2, bp2.reshape(1, -1),
    ).reshape(B, S, D_MODEL)

    return _attn_call(x, Wq, Wk, Wv, Wm, bm.reshape(1, -1))

# --- scband reference (transcript-rebuilt; emitter-appended) ---
"""Pipeline reference for scband-point-net-set-abstraction-edge-sa-20366734918002 (READ-ONLY COPY).

The authoritative reference and input builder live on the scoring server;
editing this copy changes nothing except your own understanding.
"""

import jax, jax.numpy as jnp
import numpy as np

B, N, D = 8, 4096, 64
S, K = 1024, 32
D_MODEL, NHEAD = 256, 4
HDIM = D_MODEL // NHEAD


def elu_feature_map(x):
    return jax.nn.elu(x) + 1.0


def setup_inputs(seed: int = 0):
    key = jax.random.key(seed)
    ks = jax.random.split(key, 16)
    def w(k, shape, fan_in):
        return (jax.random.normal(k, shape, dtype=jnp.float32) / np.sqrt(fan_in)).astype(jnp.float32)
    c_in = 3 + 2 * D
    inp = {}
    inp['xyz'] = jax.random.normal(ks[0], (B, N, 3), dtype=jnp.float32)
    inp['points'] = jax.random.normal(ks[1], (B, N, D), dtype=jnp.float32)
    inp['W1'] = w(ks[2], (c_in, 128), c_in)
    inp['b1'] = jnp.zeros((128,), jnp.float32)
    inp['W2'] = w(ks[3], (128, 128), 128)
    inp['b2'] = jnp.zeros((128,), jnp.float32)
    inp['W3'] = w(ks[4], (128, 256), 128)
    inp['b3'] = jnp.zeros((256,), jnp.float32)
    inp['Wp1'] = w(ks[5], (3, D_MODEL), 3)
    inp['bp1'] = jnp.zeros((D_MODEL,), jnp.float32)
    inp['Wp2'] = w(ks[6], (D_MODEL, D_MODEL), D_MODEL)
    inp['bp2'] = jnp.zeros((D_MODEL,), jnp.float32)
    inp['Wq'] = w(ks[7], (D_MODEL, D_MODEL), D_MODEL)
    inp['Wk'] = w(ks[8], (D_MODEL, D_MODEL), D_MODEL)
    inp['Wv'] = w(ks[9], (D_MODEL, D_MODEL), D_MODEL)
    inp['Wm'] = w(ks[10], (D_MODEL, D_MODEL), D_MODEL)
    inp['bm'] = jnp.zeros((D_MODEL,), jnp.float32)
    return inp


def reference(xyz, points, W1, b1, W2, b2, W3, b3, Wp1, bp1, Wp2, bp2, Wq, Wk, Wv, Wm, bm):
    B_, N_, _ = xyz.shape
    # sampling == 'RANDOM': centroids = arange(npoint) -> index_points == slice
    new_xyz = xyz[:, :S, :]
    center_points = points[:, :S, :]
    # square_distance(new_xyz, xyz): [B, S, N]
    sqr = -2.0 * jnp.einsum('bsc,bnc->bsn', new_xyz, xyz)
    sqr = sqr + jnp.sum(new_xyz ** 2, -1)[:, :, None] + jnp.sum(xyz ** 2, -1)[:, None, :]
    # knn_point via argsort (matches custom topk helper, largest=False)
    idx = jnp.argsort(sqr, axis=-1)[:, :, :K]
    bidx = jnp.arange(B_)[:, None, None]
    grouped_xyz = xyz[bidx, idx]
    grouped_points = points[bidx, idx]
    grouped_xyz_norm = grouped_xyz - new_xyz[:, :, None, :]
    cen = jnp.broadcast_to(center_points[:, :, None, :], (B_, S, K, D))
    new_points = jnp.concatenate([grouped_xyz_norm, cen, grouped_points - center_points[:, :, None, :]], axis=-1)
    # shared MLP over last dim + max pool over neighbors
    h = jax.nn.relu(new_points @ W1 + b1)
    h = jax.nn.relu(h @ W2 + b2)
    h = jax.nn.relu(h @ W3 + b3)
    feat = jnp.max(h, axis=2)
    # positional MLP + linear self-attention over sampled centers
    pos = jax.nn.relu(new_xyz @ Wp1 + bp1) @ Wp2 + bp2
    x = feat + pos
    q = (x @ Wq).reshape(B_, S, NHEAD, HDIM)
    k = (x @ Wk).reshape(B_, S, NHEAD, HDIM)
    v = (x @ Wv).reshape(B_, S, NHEAD, HDIM)
    Q = elu_feature_map(q)
    Kf = elu_feature_map(k)
    v_len = v.shape[1]
    vals = v / v_len
    KV = jnp.einsum('nshd,nshv->nhdv', Kf, vals)
    Z = 1.0 / (jnp.einsum('nlhd,nhd->nlh', Q, Kf.sum(axis=1)) + 1e-6)
    msg = jnp.einsum('nlhd,nhdv,nlh->nlhv', Q, KV, Z) * v_len
    out = msg.reshape(B_, S, D_MODEL) @ Wm + bm
    return out

if __name__ == "__main__":
    import jax
    _d = setup_inputs()
    print(jax.jit(kernel)(*tuple(_d.values())))

</pallas_src>

<mosaic_0001>
#map = affine_map<(d0, d1) -> (0, 0)>
#map1 = affine_map<(d0, d1) -> (0)>
module attributes {stable_mosaic.version = 14 : i64} {
  func.func @gk(%arg0: i32, %arg1: i32, %arg2: memref<32768x128xf32, #tpu.memory_space<hbm>>, %arg3: memref<262144xi32, #tpu.memory_space<hbm>>, %arg4: memref<262144x128xf32, #tpu.memory_space<hbm>>, %arg5: memref<128xi32, #tpu.memory_space<vmem>>, %arg6: memref<128x128xf32, #tpu.memory_space<vmem>>, %arg7: memref<!tpu.dma_semaphore, #tpu.memory_space<semaphore_mem>>) attributes {dimension_semantics = [#tpu.dimension_semantics<core_parallel>, #tpu.dimension_semantics<subcore_parallel>], iteration_bounds = array<i64: 2, 16>, scalar_prefetch = 0 : i64, scratch_operands = 3 : i64, tpu.core_type = #tpu.core_type<sc_vector_subcore>, window_params = [{transform_indices = #map}, {transform_indices = #map1}, {transform_indices = #map}]} {
    %mul3A = arith.constant 2 : i32
    %mul3A_0 = arith.muli %arg1, %mul3A : i32
    %add3A = arith.addi %mul3A_0, %arg0 : i32
    %mul3A_1 = arith.constant 8192 : i32
    %mul3A_2 = arith.muli %add3A, %mul3A_1 : i32
    %scan3A = arith.constant 0 : i32
    %scan3A_3 = arith.constant 0 : i32
    %scan3A_4 = arith.constant 64 : i32
    %scan3A_5 = arith.addi %scan3A_3, %scan3A_4 : i32
    %scan3A_6 = arith.constant 1 : i32
    scf.for %scan3A_8 = %scan3A_3 to %scan3A_5 step %scan3A_6  : i32 {
      %mul3A_9 = arith.constant 128 : i32
      %mul3A_10 = arith.muli %scan3A_8, %mul3A_9 : i32
      %add3A_11 = arith.addi %mul3A_2, %mul3A_10 : i32
      "tpu.region"() ({
        %run_scoped3A = tpu.sem_alloc : memref<!tpu.dma_semaphore, #tpu.memory_space<semaphore_mem>>
        %dma_start3A_16 = tpu.memref_slice %arg3[%add3A_11] : memref<262144xi32, #tpu.memory_space<hbm>> -> memref<128xi32, #tpu.memory_space<hbm>>
        %dma_start3A_17 = tpu.memref_slice %arg3[%add3A_11] : memref<262144xi32, #tpu.memory_space<hbm>> -> memref<128xi32, #tpu.memory_space<hbm>>
        tpu.enqueue_dma source(%dma_start3A_17 : memref<128xi32, #tpu.memory_space<hbm>>) target(%arg5 : memref<128xi32, #tpu.memory_space<vmem>>) target_semaphore(%run_scoped3A : memref<!tpu.dma_semaphore, #tpu.memory_space<semaphore_mem>>)
        %dma_wait3A_18 = tpu.memref_slice %arg3[%add3A_11] : memref<262144xi32, #tpu.memory_space<hbm>> -> memref<128xi32, #tpu.memory_space<hbm>>
        %dma_wait3A_19 = tpu.memref_slice %arg3[%add3A_11] : memref<262144xi32, #tpu.memory_space<hbm>> -> memref<128xi32, #tpu.memory_space<hbm>>
        tpu.wait_dma2 semaphore(%run_scoped3A : memref<!tpu.dma_semaphore, #tpu.memory_space<semaphore_mem>>) src(%dma_wait3A_19 : memref<128xi32, #tpu.memory_space<hbm>>) dst(%arg5 : memref<128xi32, #tpu.memory_space<vmem>>)
        tpu.yield
      }) : () -> ()
      %dma_start3A = arith.constant 0 : i32
      %dma_start3A_12 = arith.constant 0 : i32
      %dma_start3A_13 = tpu.memref_slice %arg2[%dma_start3A, %dma_start3A_12] : memref<32768x128xf32, #tpu.memory_space<hbm>> -> memref<32768x128xf32, #tpu.memory_space<hbm>>
      tpu.enqueue_indirect_dma source(%dma_start3A_13 : memref<32768x128xf32, #tpu.memory_space<hbm>>) target(%arg6 : memref<128x128xf32, #tpu.memory_space<vmem>>) offsets(%arg5 : memref<128xi32, #tpu.memory_space<vmem>>) semaphore(%arg7 : memref<!tpu.dma_semaphore, #tpu.memory_space<semaphore_mem>>)
      %dma_wait3A = arith.constant 0 : i32
      %dma_wait3A_14 = arith.constant 0 : i32
      %dma_wait3A_15 = tpu.memref_slice %arg2[%dma_wait3A, %dma_wait3A_14] : memref<32768x128xf32, #tpu.memory_space<hbm>> -> memref<32768x128xf32, #tpu.memory_space<hbm>>
      tpu.wait_indirect_dma semaphore(%arg7 : memref<!tpu.dma_semaphore, #tpu.memory_space<semaphore_mem>>) src(%dma_wait3A_15 : memref<32768x128xf32, #tpu.memory_space<hbm>>) dst(%arg6 : memref<128x128xf32, #tpu.memory_space<vmem>>)
      "tpu.region"() ({
        %run_scoped3A = tpu.sem_alloc : memref<!tpu.dma_semaphore, #tpu.memory_space<semaphore_mem>>
        %dma_start3A_16 = arith.constant 0 : i32
        %dma_start3A_17 = tpu.memref_slice %arg4[%add3A_11, %dma_start3A_16] : memref<262144x128xf32, #tpu.memory_space<hbm>> -> memref<128x128xf32, #tpu.memory_space<hbm>>
        %dma_start3A_18 = arith.constant 0 : i32
        %dma_start3A_19 = tpu.memref_slice %arg4[%add3A_11, %dma_start3A_18] : memref<262144x128xf32, #tpu.memory_space<hbm>> -> memref<128x128xf32, #tpu.memory_space<hbm>>
        tpu.enqueue_dma source(%arg6 : memref<128x128xf32, #tpu.memory_space<vmem>>) target(%dma_start3A_19 : memref<128x128xf32, #tpu.memory_space<hbm>>) target_semaphore(%run_scoped3A : memref<!tpu.dma_semaphore, #tpu.memory_space<semaphore_mem>>)
        %dma_wait3A_20 = arith.constant 0 : i32
        %dma_wait3A_21 = tpu.memref_slice %arg4[%add3A_11, %dma_wait3A_20] : memref<262144x128xf32, #tpu.memory_space<hbm>> -> memref<128x128xf32, #tpu.memory_space<hbm>>
        %dma_wait3A_22 = arith.constant 0 : i32
        %dma_wait3A_23 = tpu.memref_slice %arg4[%add3A_11, %dma_wait3A_22] : memref<262144x128xf32, #tpu.memory_space<hbm>> -> memref<128x128xf32, #tpu.memory_space<hbm>>
        tpu.wait_dma2 semaphore(%run_scoped3A : memref<!tpu.dma_semaphore, #tpu.memory_space<semaphore_mem>>) src(%arg6 : memref<128x128xf32, #tpu.memory_space<vmem>>) dst(%dma_wait3A_23 : memref<128x128xf32, #tpu.memory_space<hbm>>)
        tpu.yield
      }) : () -> ()
    }
    %scan3A_7 = arith.constant 64 : i32
    return
  }
}

module attributes {stable_mosaic.version = 14 : i64} {
  func.func @_topk_body(%arg0: i32, %arg1: i32, %arg2: memref<1x64x3xf32, #tpu.memory_space<vmem>>, %arg3: memref<1x3x4096xf32, #tpu.memory_space<vmem>>, %arg4: memref<1x64x32xi32, #tpu.memory_space<vmem>>) attributes {dimension_semantics = [#tpu.dimension_semantics<arbitrary>, #tpu.dimension_semantics<arbitrary>], iteration_bounds = array<i64: 8, 16>, scalar_prefetch = 0 : i64, scratch_operands = 0 : i64, tpu.core_type = #tpu.core_type<tc>, window_params = [{transform_indices = @transform_0, window_bounds = array<i64: 1, 64, 3>}, {transform_indices = @transform_1, window_bounds = array<i64: 1, 3, 4096>}, {transform_indices = @transform_2, window_bounds = array<i64: 1, 64, 32>}]} {
    %get3A = arith.constant 0 : index
    %get3A_0 = arith.constant 0 : index
    %get3A_1 = arith.constant 0 : index
    %get3A_2 = vector.load %arg2[%get3A, %get3A_0, %get3A_1] : memref<1x64x3xf32, #tpu.memory_space<vmem>>, vector<1x64x3xf32>
    %get3A_3 = vector.shape_cast %get3A_2 : vector<1x64x3xf32> to vector<64x3xf32>
    %get3A_4 = arith.constant 0 : index
    %get3A_5 = arith.constant 0 : index
    %get3A_6 = arith.constant 0 : index
    %get3A_7 = vector.load %arg3[%get3A_4, %get3A_5, %get3A_6] : memref<1x3x4096xf32, #tpu.memory_space<vmem>>, vector<1x3x4096xf32>
    %get3A_8 = vector.shape_cast %get3A_7 : vector<1x3x4096xf32> to vector<3x4096xf32>
    %dot_general3A = arith.constant dense<0.000000e+00> : vector<64x4096xf32>
    %dot_general3A_9 = tpu.matmul %get3A_3, %get3A_8, %dot_general3A {dimension_numbers = #tpu.dot_dimension_numbers<[1], [0], [0], [1], [0, 0, 1, 1], [], []>, transpose_lhs_hint = false} : vector<64x3xf32>, vector<3x4096xf32>, vector<64x4096xf32> -> vector<64x4096xf32>
    %mul3A = arith.mulf %get3A_3, %get3A_3 : vector<64x3xf32>
    %reduce_sum3A = arith.constant dense<0.000000e+00> : vector<64xf32>
    %reduce_sum3A_10 = vector.multi_reduction <add>, %mul3A, %reduce_sum3A [1] : vector<64x3xf32> to vector<64xf32>
    %broadcast_in_dim3A = vector.shape_cast %reduce_sum3A_10 : vector<64xf32> to vector<64x1xf32>
    %mul3A_11 = arith.mulf %get3A_8, %get3A_8 : vector<3x4096xf32>
    %reduce_sum3A_12 = arith.constant dense<0.000000e+00> : vector<4096xf32>
    %reduce_sum3A_13 = vector.multi_reduction <add>, %mul3A_11, %reduce_sum3A_12 [0] : vector<3x4096xf32> to vector<4096xf32>
    %broadcast_in_dim3A_14 = vector.shape_cast %reduce_sum3A_13 : vector<4096xf32> to vector<1x4096xf32>
    %mul3A_15 = arith.constant -2.000000e+00 : f32
    %mul3A_16 = vector.broadcast %mul3A_15 : f32 to vector<64x4096xf32>
    %mul3A_17 = arith.mulf %mul3A_16, %dot_general3A_9 : vector<64x4096xf32>
    %add3A = vector.broadcast %broadcast_in_dim3A : vector<64x1xf32> to vector<64x4096xf32>
    %add3A_18 = arith.addf %mul3A_17, %add3A : vector<64x4096xf32>
    %add3A_19 = vector.broadcast %broadcast_in_dim3A_14 : vector<1x4096xf32> to vector<64x4096xf32>
    %add3A_20 = arith.addf %add3A_18, %add3A_19 : vector<64x4096xf32>
    %iota3A = tpu.iota {dimensions = array<i32: 1>} : vector<64x128xi32>
    %broadcast_in_dim3A_21 = arith.constant 0x7F800000 : f32
    %broadcast_in_dim3A_22 = vector.broadcast %broadcast_in_dim3A_21 : f32 to vector<64x128xf32>
    %broadcast_in_dim3A_23 = arith.constant 0 : i32
    %broadcast_in_dim3A_24 = vector.broadcast %broadcast_in_dim3A_23 : i32 to vector<64x128xi32>
    %slice3A = vector.extract_strided_slice %add3A_20 {offsets = [0, 0], sizes = [64, 128], strides = [1, 1]} : vector<64x4096xf32> to vector<64x128xf32>
    %add3A_25 = arith.constant 0 : i32
    %add3A_26 = vector.broadcast %add3A_25 : i32 to vector<64x128xi32>
    %add3A_27 = arith.addi %iota3A, %add3A_26 : vector<64x128xi32>
    %lt3A = arith.cmpf olt, %slice3A, %broadcast_in_dim3A_22 : vector<64x128xf32>
    %select_n3A = arith.select %lt3A, %broadcast_in_dim3A_22, %slice3A : vector<64x128xi1>, vector<64x128xf32>
    %select_n3A_28 = arith.select %lt3A, %broadcast_in_dim3A_24, %add3A_27 : vector<64x128xi1>, vector<64x128xi32>
    %select_n3A_29 = arith.select %lt3A, %slice3A, %broadcast_in_dim3A_22 : vector<64x128xi1>, vector<64x128xf32>
    %select_n3A_30 = arith.select %lt3A, %add3A_27, %broadcast_in_dim3A_24 : vector<64x128xi1>, vector<64x128xi32>
    %lt3A_31 = arith.cmpf olt, %select_n3A, %broadcast_in_dim3A_22 : vector<64x128xf32>
    %select_n3A_32 = arith.select %lt3A_31, %select_n3A, %broadcast_in_dim3A_22 : vector<64x128xi1>, vector<64x128xf32>
    %select_n3A_33 = arith.select %lt3A_31, %select_n3A_28, %broadcast_in_dim3A_24 : vector<64x128xi1>, vector<64x128xi32>
    %slice3A_34 = vector.extract_strided_slice %add3A_20 {offsets = [0, 128], sizes = [64, 128], strides = [1, 1]} : vector<64x4096xf32> to vector<64x128xf32>
    %add3A_35 = arith.constant 128 : i32
    %add3A_36 = vector.broadcast %add3A_35 : i32 to vector<64x128xi32>
    %add3A_37 = arith.addi %iota3A, %add3A_36 : vector<64x128xi32>
    %lt3A_38 = arith.cmpf olt, %slice3A_34, %select_n3A_29 : vector<64x128xf32>
    %select_n3A_39 = arith.select %lt3A_38, %select_n3A_29, %slice3A_34 : vector<64x128xi1>, vector<64x128xf32>
    %select_n3A_40 = arith.select %lt3A_38, %select_n3A_30, %add3A_37 : vector<64x128xi1>, vector<64x128xi32>
    %select_n3A_41 = arith.select %lt3A_38, %slice3A_34, %select_n3A_29 : vector<64x128xi1>, vector<64x128xf32>
    %select_n3A_42 = arith.select %lt3A_38, %add3A_37, %select_n3A_30 : vector<64x128xi1>, vector<64x128xi32>
    %lt3A_43 = arith.cmpf olt, %select_n3A_39, %select_n3A_32 : vector<64x128xf32>
    %select_n3A_44 = arith.select %lt3A_43, %select_n3A_39, %select_n3A_32 : vector<64x128xi1>, vector<64x128xf32>
    %select_n3A_45 = arith.select %lt3A_43, %select_n3A_40, %select_n3A_33 : vector<64x128xi1>, vector<64x128xi32>
    %slice3A_46 = vector.extract_strided_slice %add3A_20 {offsets = [0, 256], sizes = [64, 128], strides = [1, 1]} : vector<64x4096xf32> to vector<64x128xf32>
    %add3A_47 = arith.constant 256 : i32
    %add3A_48 = vector.broadcast %add3A_47 : i32 to vector<64x128xi32>
    %add3A_49 = arith.addi %iota3A, %add3A_48 : vector<64x128xi32>
    %lt3A_50 = arith.cmpf olt, %slice3A_46, %select_n3A_41 : vector<64x128xf32>
    %select_n3A_51 = arith.select %lt3A_50, %select_n3A_41, %slice3A_46 : vector<64x128xi1>, vector<64x128xf32>
    %select_n3A_52 = arith.select %lt3A_50, %select_n3A_42, %add3A_49 : vector<64x128xi1>, vector<64x128xi32>
    %select_n3A_53 = arith.select %lt3A_50, %slice3A_46, %select_n3A_41 : vector<64x128xi1>, vector<64x128xf32>
    %select_n3A_54 = arith.select %lt3A_50, %add3A_49, %select_n3A_42 : vector<64x128xi1>, vector<64x128xi32>
    %lt3A_55 = arith.cmpf olt, %select_n3A_51, %select_n3A_44 : vector<64x128xf32>
    %select_n3A_56 = arith.select %lt3A_55, %select_n3A_51, %select_n3A_44 : vector<64x128xi1>, vector<64x128xf32>
    %select_n3A_57 = arith.select %lt3A_55, %select_n3A_52, %select_n3A_45 : vector<64x128xi1>, vector<64x128xi32>
    %slice3A_58 = vector.extract_strided_slice %add3A_20 {offsets = [0, 384], sizes = [64, 128], strides = [1, 1]} : vector<64x4096xf32> to vector<64x128xf32>
    %add3A_59 = arith.constant 384 : i32
    %add3A_60 = vector.broadcast %add3A_59 : i32 to vector<64x128xi32>
    %add3A_61 = arith.addi %iota3A, %add3A_60 : vector<64x128xi32>
    %lt3A_62 = arith.cmpf olt, %slice3A_58, %select_n3A_53 : vector<64x128xf32>
    %select_n3A_63 = arith.select %lt3A_62, %select_n3A_53, %slice3A_58 : vector<64x128xi1>, vector<64x128xf32>
    %select_n3A_64 = arith.select %lt3A_62, %select_n3A_54, %add3A_61 : vector<64x128xi1>, vector<64x128xi32>
    %select_n3A_65 = arith.select %lt3A_62, %slice3A_58, %select_n3A_53 : vector<64x128xi1>, vector<64x128xf32>
    %select_n3A_66 = arith.select %lt3A_62, %add3A_61, %select_n3A_54 : vector<64x128xi1>, vector<64x128xi32>
    %lt3A_67 = arith.cmpf olt, %select_n3A_63, %select_n3A_56 : vector<64x128xf32>
    %select_n3A_68 = arith.select %lt3A_67, %select_n3A_63, %select_n3A_56 : vector<64x128xi1>, vector<64x128xf32>
    %select_n3A_69 = arith.select %lt3A_67, %select_n3A_64, %select_n3A_57 : vector<64x128xi1>, vector<64x128xi32>
    %slice3A_70 = vector.extract_strided_slice %add3A_20 {offsets = [0, 512], sizes = [64, 128], strides = [1, 1]} : vector<64x4096xf32> to vector<64x128xf32>
    %add3A_71 = arith.constant 512 : i32
    %add3A_72 = vector.broadcast %add3A_71 : i32 to vector<64x128xi32>
    %add3A_73 = arith.addi %iota3A, %add3A_72 : vector<64x128xi32>
    %lt3A_74 = arith.cmpf olt, %slice3A_70, %select_n3A_65 : vector<64x128xf32>
    %select_n3A_75 = arith.select %lt3A_74, %select_n3A_65, %slice3A_70 : vector<64x128xi1>, vector<64x128xf32>
    %select_n3A_76 = arith.select %lt3A_74, %select_n3A_66, %add3A_73 : vector<64x128xi1>, vector<64x128xi32>
    %select_n3A_77 = arith.select %lt3A_74, %slice3A_70, %select_n3A_65 : vector<64x128xi1>, vector<64x128xf32>
    %select_n3A_78 = arith.select %lt3A_74, %add3A_73, %select_n3A_66 : vector<64x128xi1>, vector<64x128xi32>
    %lt3A_79 = arith.cmpf olt, %select_n3A_75, %select_n3A_68 : vector<64x128xf32>
    %select_n3A_80 = arith.select %lt3A_79, %select_n3A_75, %select_n3A_68 : vector<64x128xi1>, vector<64x128xf32>
    %select_n3A_81 = arith.select %lt3A_79, %select_n3A_76, %select_n3A_69 : vector<64x128xi1>, vector<64x128xi32>
    %slice3A_82 = vector.extract_strided_slice %add3A_20 {offsets = [0, 640], sizes = [64, 128], strides = [1, 1]} : vector<64x4096xf32> to vector<64x128xf32>
    %add3A_83 = arith.constant 640 : i32
    %add3A_84 = vector.broadcast %add3A_83 : i32 to vector<64x128xi32>
    %add3A_85 = arith.addi %iota3A, %add3A_84 : vector<64x128xi32>
    %lt3A_86 = arith.cmpf olt, %slice3A_82, %select_n3A_77 : vector<64x128xf32>
    %select_n3A_87 = arith.select %lt3A_86, %select_n3A_77, %slice3A_82 : vector<64x128xi1>, vector<64x128xf32>
    %select_n3A_88 = arith.select %lt3A_86, %select_n3A_78, %add3A_85 : vector<64x128xi1>, vector<64x128xi32>
    %select_n3A_89 = arith.select %lt3A_86, %slice3A_82, %select_n3A_77 : vector<64x128xi1>, vector<64x128xf32>
    %select_n3A_90 = arith.select %lt3A_86, %add3A_85, %select_n3A_78 : vector<64x128xi1>, vector<64x128xi32>
    %lt3A_91 = arith.cmpf olt, %select_n3A_87, %select_n3A_80 : vector<64x128xf32>
    %select_n3A_92 = arith.select %lt3A_91, %select_n3A_87, %select_n3A_80 : vector<64x128xi1>, vector<64x128xf32>
    %select_n3A_93 = arith.select %lt3A_91, %select_n3A_88, %select_n3A_81 : vector<64x128xi1>, vector<64x128xi32>
    %slice3A_94 = vector.extract_strided_slice %add3A_20 {offsets = [0, 768], sizes = [64, 128], strides = [1, 1]} : vector<64x4096xf32> to vector<64x128xf32>
    %add3A_95 = arith.constant 768 : i32
    %add3A_96 = vector.broadcast %add3A_95 : i32 to vector<64x128xi32>
    %add3A_97 = arith.addi %iota3A, %add3A_96 : vector<64x128xi32>
    %lt3A_98 = arith.cmpf olt, %slice3A_94, %select_n3A_89 : vector<64x128xf32>
    %select_n3A_99 = arith.select %lt3A_98, %select_n3A_89, %slice3A_94 : vector<64x128xi1>, vector<64x128xf32>
    %select_n3A_100 = arith.select %lt3A_98, %select_n3A_90, %add3A_97 : vector<64x128xi1>, vector<64x128xi32>
    %select_n3A_101 = arith.select %lt3A_98, %slice3A_94, %select_n3A_89 : vector<64x128xi1>, vector<64x128xf32>
    %select_n3A_102 = arith.select %lt3A_98, %add3A_97, %select_n3A_90 : vector<64x128xi1>, vector<64x128xi32>
    %lt3A_103 = arith.cmpf olt, %select_n3A_99, %select_n3A_92 : vector<64x128xf32>
    %select_n3A_104 = arith.select %lt3A_103, %select_n3A_99, %select_n3A_92 : vector<64x128xi1>, vector<64x128xf32>
    %select_n3A_105 = arith.select %lt3A_103, %select_n3A_100, %select_n3A_93 : vector<64x128xi1>, vector<64x128xi32>
    %slice3A_106 = vector.extract_strided_slice %add3A_20 {offsets = [0, 896], sizes = [64, 128], strides = [1, 1]} : vector<64x4096xf32> to vector<64x128xf32>
    %add3A_107 = arith.constant 896 : i32
    %add3A_108 = vector.broadcast %add3A_107 : i32 to vector<64x128xi32>
    %add3A_109 = arith.addi %iota3A, %add3A_108 : vector<64x128xi32>
    %lt3A_110 = arith.cmpf olt, %slice3A_106, %select_n3A_101 : vector<64x128xf32>
    %select_n3A_111 = arith.select %lt3A_110, %select_n3A_101, %slice3A_106 : vector<64x128xi1>, vector<64x128xf32>
    %select_n3A_112 = arith.select %lt3A_110, %select_n3A_102, %add3A_109 : vector<64x128xi1>, vector<64x128xi32>
    %select_n3A_113 = arith.select %lt3A_110, %slice3A_106, %select_n3A_101 : vector<64x128xi1>, vector<64x128xf32>
    %select_n3A_114 = arith.select %lt3A_110, %add3A_109, %select_n3A_102 : vector<64x128xi1>, vector<64x128xi32>
    %lt3A_115 = arith.cmpf olt, %select_n3A_111, %select_n3A_104 : vector<64x128xf32>
    %select_n3A_116 = arith.select %lt3A_115, %select_n3A_111, %select_n3A_104 : vector<64x128xi1>, vector<64x128xf32>
    %select_n3A_117 = arith.select %lt3A_115, %select_n3A_112, %select_n3A_105 : vector<64x128xi1>, vector<64x128xi32>
    %slice3A_118 = vector.extract_strided_slice %add3A_20 {offsets = [0, 1024], sizes = [64, 128], strides = [1, 1]} : vector<64x4096xf32> to vector<64x128xf32>
    %add3A_119 = arith.constant 1024 : i32
    %add3A_120 = vector.broadcast %add3A_119 : i32 to vector<64x128xi32>
    %add3A_121 = arith.addi %iota3A, %add3A_120 : vector<64x128xi32>
    %lt3A_122 = arith.cmpf olt, %slice3A_118, %select_n3A_113 : vector<64x128xf32>
    %select_n3A_123 = arith.select %lt3A_122, %select_n3A_113, %slice3A_118 : vector<64x128xi1>, vector<64x128xf32>
    %select_n3A_124 = arith.select %lt3A_122, %select_n3A_114, %add3A_121 : vector<64x128xi1>, vector<64x128xi32>
    %select_n3A_125 = arith.select %lt3A_122, %slice3A_118, %select_n3A_113 : vector<64x128xi1>, vector<64x128xf32>
    %select_n3A_126 = arith.select %lt3A_122, %add3A_121, %select_n3A_114 : vector<64x128xi1>, vector<64x128xi32>
    %lt3A_127 = arith.cmpf olt, %select_n3A_123, %select_n3A_116 : vector<64x128xf32>
    %select_n3A_128 = arith.select %lt3A_127, %select_n3A_123, %select_n3A_116 : vector<64x128xi1>, vector<64x128xf32>
    %select_n3A_129 = arith.select %lt3A_127, %select_n3A_124, %select_n3A_117 : vector<64x128xi1>, vector<64x128xi32>
    %slice3A_130 = vector.extract_strided_slice %add3A_20 {offsets = [0, 1152], sizes = [64, 128], strides = [1, 1]} : vector<64x4096xf32> to vector<64x128xf32>
    %add3A_131 = arith.constant 1152 : i32
    %add3A_132 = vector.broadcast %add3A_131 : i32 to vector<64x128xi32>
    %add3A_133 = arith.addi %iota3A, %add3A_132 : vector<64x128xi32>
    %lt3A_134 = arith.cmpf olt, %slice3A_130, %select_n3A_125 : vector<64x128xf32>
    %select_n3A_135 = arith.select %lt3A_134, %select_n3A_125, %slice3A_130 : vector<64x128xi1>, vector<64x128xf32>
    %select_n3A_136 = arith.select %lt3A_134, %select_n3A_126, %add3A_133 : vector<64x128xi1>, vector<64x128xi32>
    %select_n3A_137 = arith.select %lt3A_134, %slice3A_130, %select_n3A_125 : vector<64x128xi1>, vector<64x128xf32>
    %select_n3A_138 = arith.select %lt3A_134, %add3A_133, %select_n3A_126 : vector<64x128xi1>, vector<64x128xi32>
    %lt3A_139 = arith.cmpf olt, %select_n3A_135, %select_n3A_128 : vector<64x128xf32>
    %select_n3A_140 = arith.select %lt3A_139, %select_n3A_135, %select_n3A_128 : vector<64x128xi1>, vector<64x128xf32>
    %select_n3A_141 = arith.select %lt3A_139, %select_n3A_136, %select_n3A_129 : vector<64x128xi1>, vector<64x128xi32>
    %slice3A_142 = vector.extract_strided_slice %add3A_20 {offsets = [0, 1280], sizes = [64, 128], strides = [1, 1]} : vector<64x4096xf32> to vector<64x128xf32>
    %add3A_143 = arith.constant 1280 : i32
    %add3A_144 = vector.broadcast %add3A_143 : i32 to vector<64x128xi32>
    %add3A_145 = arith.addi %iota3A, %add3A_144 : vector<64x128xi32>
    %lt3A_146 = arith.cmpf olt, %slice3A_142, %select_n3A_137 : vector<64x128xf32>
    %select_n3A_147 = arith.select %lt3A_146, %select_n3A_137, %slice3A_142 : vector<64x128xi1>, vector<64x128xf32>
    %select_n3A_148 = arith.select %lt3A_146, %select_n3A_138, %add3A_145 : vector<64x128xi1>, vector<64x128xi32>
    %select_n3A_149 = arith.select %lt3A_146, %slice3A_142, %select_n3A_137 : vector<64x128xi1>, vector<64x128xf32>
    %select_n3A_150 = arith.select %lt3A_146, %add3A_145, %select_n3A_138 : vector<64x128xi1>, vector<64x128xi32>
    %lt3A_151 = arith.cmpf olt, %select_n3A_147, %select_n3A_140 : vector<64x128xf32>
    %select_n3A_152 = arith.select %lt3A_151, %select_n3A_147, %select_n3A_140 : vector<64x128xi1>, vector<64x128xf32>
    %select_n3A_153 = arith.select %lt3A_151, %select_n3A_148, %select_n3A_141 : vector<64x128xi1>, vector<64x128xi32>
    %slice3A_154 = vector.extract_strided_slice %add3A_20 {offsets = [0, 1408], sizes = [64, 128], strides = [1, 1]} : vector<64x4096xf32> to vector<64x128xf32>
    %add3A_155 = arith.constant 1408 : i32
    %add3A_156 = vector.broadcast %add3A_155 : i32 to vector<64x128xi32>
    %add3A_157 = arith.addi %iota3A, %add3A_156 : vector<64x128xi32>
    %lt3A_158 = arith.cmpf olt, %slice3A_154, %select_n3A_149 : vector<64x128xf32>
    %select_n3A_159 = arith.select %lt3A_158, %select_n3A_149, %slice3A_154 : vector<64x128xi1>, vector<64x128xf32>
    %select_n3A_160 = arith.select %lt3A_158, %select_n3A_150, %add3A_157 : vector<64x128xi1>, vector<64x128xi32>
    %select_n3A_161 = arith.select %lt3A_158, %slice3A_154, %select_n3A_149 : vector<64x128xi1>, vector<64x128xf32>
    %select_n3A_162 = arith.select %lt3A_158, %add3A_157, %select_n3A_150 : vector<64x128xi1>, vector<64x128xi32>
    %lt3A_163 = arith.cmpf olt, %select_n3A_159, %select_n3A_152 : vector<64x128xf32>
    %select_n3A_164 = arith.select %lt3A_163, %select_n3A_159, %select_n3A_152 : vector<64x128xi1>, vector<64x128xf32>
    %select_n3A_165 = arith.select %lt3A_163, %select_n3A_160, %select_n3A_153 : vector<64x128xi1>, vector<64x128xi32>
    %slice3A_166 = vector.extract_strided_slice %add3A_20 {offsets = [0, 1536], sizes = [64, 128], strides = [1, 1]} : vector<64x4096xf32> to vector<64x128xf32>
    %add3A_167 = arith.constant 1536 : i32
    %add3A_168 = vector.broadcast %add3A_167 : i32 to vector<64x128xi32>
    %add3A_169 = arith.addi %iota3A, %add3A_168 : vector<64x128xi32>
    %lt3A_170 = arith.cmpf olt, %slice3A_166, %select_n3A_161 : vector<64x128xf32>
    %select_n3A_171 = arith.select %lt3A_170, %select_n3A_161, %slice3A_166 : vector<64x128xi1>, vector<64x128xf32>
    %select_n3A_172 = arith.select %lt3A_170, %select_n3A_162, %add3A_169 : vector<64x128xi1>, vector<64x128xi32>
    %select_n3A_173 = arith.select %lt3A_170, %slice3A_166, %select_n3A_161 : vector<64x128xi1>, vector<64x128xf32>
    %select_n3A_174 = arith.select %lt3A_170, %add3A_169, %select_n3A_162 : vector<64x128xi1>, vector<64x128xi32>
    %lt3A_175 = arith.cmpf olt, %select_n3A_171, %select_n3A_164 : vector<64x128xf32>
    %select_n3A_176 = arith.select %lt3A_175, %select_n3A_171, %select_n3A_164 : vector<64x128xi1>, vector<64x128xf32>
    %select_n3A_177 = arith.select %lt3A_175, %select_n3A_172, %select_n3A_165 : vector<64x128xi1>, vector<64x128xi32>
    %slice3A_178 = vector.extract_strided_slice %add3A_20 {offsets = [0, 1664], sizes = [64, 128], strides = [1, 1]} : vector<64x4096xf32> to vector<64x128xf32>
    %add3A_179 = arith.constant 1664 : i32
    %add3A_180 = vector.broadcast %add3A_179 : i32 to vector<64x128xi32>
    %add3A_181 = arith.addi %iota3A, %add3A_180 : vector<64x128xi32>
    %lt3A_182 = arith.cmpf olt, %slice3A_178, %select_n3A_173 : vector<64x128xf32>
    %select_n3A_183 = arith.select %lt3A_182, %select_n3A_173, %slice3A_178 : vector<64x128xi1>, vector<64x128xf32>
    %select_n3A_184 = arith.select %lt3A_182, %select_n3A_174, %add3A_181 : vector<64x128xi1>, vector<64x128xi32>
    %select_n3A_185 = arith.select %lt3A_182, %slice3A_178, %select_n3A_173 : vector<64x128xi1>, vector<64x128xf32>
    %select_n3A_186 = arith.select %lt3A_182, %add3A_181, %select_n3A_174 : vector<64x128xi1>, vector<64x128xi32>
    %lt3A_187 = arith.cmpf olt, %select_n3A_183, %select_n3A_176 : vector<64x128xf32>
    %select_n3A_188 = arith.select %lt3A_187, %select_n3A_183, %select_n3A_176 : vector<64x128xi1>, vector<64x128xf32>
    %select_n3A_189 = arith.select %lt3A_187, %select_n3A_184, %select_n3A_177 : vector<64x128xi1>, vector<64x128xi32>
    %slice3A_190 = vector.extract_strided_slice %add3A_20 {offsets = [0, 1792], sizes = [64, 128], strides = [1, 1]} : vector<64x4096xf32> to vector<64x128xf32>
    %add3A_191 = arith.constant 1792 : i32
    %add3A_192 = vector.broadcast %add3A_191 : i32 to vector<64x128xi32>
    %add3A_193 = arith.addi %iota3A, %add3A_192 : vector<64x128xi32>
    %lt3A_194 = arith.cmpf olt, %slice3A_190, %select_n3A_185 : vector<64x128xf32>
    %select_n3A_195 = arith.select %lt3A_194, %select_n3A_185, %slice3A_190 : vector<64x128xi1>, vector<64x128xf32>
    %select_n3A_196 = arith.select %lt3A_194, %select_n3A_186, %add3A_193 : vector<64x128xi1>, vector<64x128xi32>
    %select_n3A_197 = arith.select %lt3A_194, %slice3A_190, %select_n3A_185 : vector<64x128xi1>, vector<64x128xf32>
    %select_n3A_198 = arith.select %lt3A_194, %add3A_193, %select_n3A_186 : vector<64x128xi1>, vector<64x128xi32>
    %lt3A_199 = arith.cmpf olt, %select_n3A_195, %select_n3A_188 : vector<64x128xf32>
    %select_n3A_200 = arith.select %lt3A_199, %select_n3A_195, %select_n3A_188 : vector<64x128xi1>, vector<64x128xf32>
    %select_n3A_201 = arith.select %lt3A_199, %select_n3A_196, %select_n3A_189 : vector<64x128xi1>, vector<64x128xi32>
    %slice3A_202 = vector.extract_strided_slice %add3A_20 {offsets = [0, 1920], sizes = [64, 128], strides = [1, 1]} : vector<64x4096xf32> to vector<64x128xf32>
    %add3A_203 = arith.constant 1920 : i32
    %add3A_204 = vector.broadcast %add3A_203 : i32 to vector<64x128xi32>
    %add3A_205 = arith.addi %iota3A, %add3A_204 : vector<64x128xi32>
    %lt3A_206 = arith.cmpf olt, %slice3A_202, %select_n3A_197 : vector<64x128xf32>
    %select_n3A_207 = arith.select %lt3A_206, %select_n3A_197, %slice3A_202 : vector<64x128xi1>, vector<64x128xf32>
    %select_n3A_208 = arith.select %lt3A_206, %select_n3A_198, %add3A_205 : vector<64x128xi1>, vector<64x128xi32>
    %select_n3A_209 = arith.select %lt3A_206, %slice3A_202, %select_n3A_197 : vector<64x128xi1>, vector<64x128xf32>
    %select_n3A_210 = arith.select %lt3A_206, %add3A_205, %select_n3A_198 : vector<64x128xi1>, vector<64x128xi32>
    %lt3A_211 = arith.cmpf olt, %select_n3A_207, %select_n3A_200 : vector<64x128xf32>
    %select_n3A_212 = arith.select %lt3A_211, %select_n3A_207, %select_n3A_200 : vector<64x128xi1>, vector<64x128xf32>
    %select_n3A_213 = arith.select %lt3A_211, %select_n3A_208, %select_n3A_201 : vector<64x128xi1>, vector<64x128xi32>
    %slice3A_214 = vector.extract_strided_slice %add3A_20 {offsets = [0, 2048], sizes = [64, 128], strides = [1, 1]} : vector<64x4096xf32> to vector<64x128xf32>
    %add3A_215 = arith.constant 2048 : i32
    %add3A_216 = vector.broadcast %add3A_215 : i32 to vector<64x128xi32>
    %add3A_217 = arith.addi %iota3A, %add3A_216 : vector<64x128xi32>
    %lt3A_218 = arith.cmpf olt, %slice3A_214, %select_n3A_209 : vector<64x128xf32>
    %select_n3A_219 = arith.select %lt3A_218, %select_n3A_209, %slice3A_214 : vector<64x128xi1>, vector<64x128xf32>
    %select_n3A_220 = arith.select %lt3A_218, %select_n3A_210, %add3A_217 : vector<64x128xi1>, vector<64x128xi32>
    %select_n3A_221 = arith.select %lt3A_218, %slice3A_214, %select_n3A_209 : vector<64x128xi1>, vector<64x128xf32>
    %select_n3A_222 = arith.select %lt3A_218, %add3A_217, %select_n3A_210 : vector<64x128xi1>, vector<64x128xi32>
    %lt3A_223 = arith.cmpf olt, %select_n3A_219, %select_n3A_212 : vector<64x128xf32>
    %select_n3A_224 = arith.select %lt3A_223, %select_n3A_219, %select_n3A_212 : vector<64x128xi1>, vector<64x128xf32>
    %select_n3A_225 = arith.select %lt3A_223, %select_n3A_220, %select_n3A_213 : vector<64x128xi1>, vector<64x128xi32>
    %slice3A_226 = vector.extract_strided_slice %add3A_20 {offsets = [0, 2176], sizes = [64, 128], strides = [1, 1]} : vector<64x4096xf32> to vector<64x128xf32>
    %add3A_227 = arith.constant 2176 : i32
    %add3A_228 = vector.broadcast %add3A_227 : i32 to vector<64x128xi32>
    %add3A_229 = arith.addi %iota3A, %add3A_228 : vector<64x128xi32>
    %lt3A_230 = arith.cmpf olt, %slice3A_226, %select_n3A_221 : vector<64x128xf32>
    %select_n3A_231 = arith.select %lt3A_230, %select_n3A_221, %slice3A_226 : vector<64x128xi1>, vector<64x128xf32>
    %select_n3A_232 = arith.select %lt3A_230, %select_n3A_222, %add3A_229 : vector<64x128xi1>, vector<64x128xi32>
    %select_n3A_233 = arith.select %lt3A_230, %slice3A_226, %select_n3A_221 : vector<64x128xi1>, vector<64x128xf32>
    %select_n3A_234 = arith.select %lt3A_230, %add3A_229, %select_n3A_222 : vector<64x128xi1>, vector<64x128xi32>
    %lt3A_235 = arith.cmpf olt, %select_n3A_231, %select_n3A_224 : vector<64x128xf32>
    %select_n3A_236 = arith.select %lt3A_235, %select_n3A_231, %select_n3A_224 : vector<64x128xi1>, vector<64x128xf32>
    %select_n3A_237 = arith.select %lt3A_235, %select_n3A_232, %select_n3A_225 : vector<64x128xi1>, vector<64x128xi32>
    %slice3A_238 = vector.extract_strided_slice %add3A_20 {offsets = [0, 2304], sizes = [64, 128], strides = [1, 1]} : vector<64x4096xf32> to vector<64x128xf32>
    %add3A_239 = arith.constant 2304 : i32
    %add3A_240 = vector.broadcast %add3A_239 : i32 to vector<64x128xi32>
    %add3A_241 = arith.addi %iota3A, %add3A_240 : vector<64x128xi32>
    %lt3A_242 = arith.cmpf olt, %slice3A_238, %select_n3A_233 : vector<64x128xf32>
    %select_n3A_243 = arith.select %lt3A_242, %select_n3A_233, %slice3A_238 : vector<64x128xi1>, vector<64x128xf32>
    %select_n3A_244 = arith.select %lt3A_242, %select_n3A_234, %add3A_241 : vector<64x128xi1>, vector<64x128xi32>
    %select_n3A_245 = arith.select %lt3A_242, %slice3A_238, %select_n3A_233 : vector<64x128xi1>, vector<64x128xf32>
    %select_n3A_246 = arith.select %lt3A_242, %add3A_241, %select_n3A_234 : vector<64x128xi1>, vector<64x128xi32>
    %lt3A_247 = arith.cmpf olt, %select_n3A_243, %select_n3A_236 : vector<64x128xf32>
    %select_n3A_248 = arith.select %lt3A_247, %select_n3A_243, %select_n3A_236 : vector<64x128xi1>, vector<64x128xf32>
    %select_n3A_249 = arith.select %lt3A_247, %select_n3A_244, %select_n3A_237 : vector<64x128xi1>, vector<64x128xi32>
    %slice3A_250 = vector.extract_strided_slice %add3A_20 {offsets = [0, 2432], sizes = [64, 128], strides = [1, 1]} : vector<64x4096xf32> to vector<64x128xf32>
    %add3A_251 = arith.constant 2432 : i32
    %add3A_252 = vector.broadcast %add3A_251 : i32 to vector<64x128xi32>
    %add3A_253 = arith.addi %iota3A, %add3A_252 : vector<64x128xi32>
    %lt3A_254 = arith.cmpf olt, %slice3A_250, %select_n3A_245 : vector<64x128xf32>
    %select_n3A_255 = arith.select %lt3A_254, %select_n3A_245, %slice3A_250 : vector<64x128xi1>, vector<64x128xf32>
    %select_n3A_256 = arith.select %lt3A_254, %select_n3A_246, %add3A_253 : vector<64x128xi1>, vector<64x128xi32>
    %select_n3A_257 = arith.select %lt3A_254, %slice3A_250, %select_n3A_245 : vector<64x128xi1>, vector<64x128xf32>
    %select_n3A_258 = arith.select %lt3A_254, %add3A_253, %select_n3A_246 : vector<64x128xi1>, vector<64x128xi32>
    %lt3A_259 = arith.cmpf olt, %select_n3A_255, %select_n3A_248 : vector<64x128xf32>
    %select_n3A_260 = arith.select %lt3A_259, %select_n3A_255, %select_n3A_248 : vector<64x128xi1>, vector<64x128xf32>
    %select_n3A_261 = arith.select %lt3A_259, %select_n3A_256, %select_n3A_249 : vector<64x128xi1>, vector<64x128xi32>
    %slice3A_262 = vector.extract_strided_slice %add3A_20 {offsets = [0, 2560], sizes = [64, 128], strides = [1, 1]} : vector<64x4096xf32> to vector<64x128xf32>
    %add3A_263 = arith.constant 2560 : i32
    %add3A_264 = vector.broadcast %add3A_263 : i32 to vector<64x128xi32>
    %add3A_265 = arith.addi %iota3A, %add3A_264 : vector<64x128xi32>
    %lt3A_266 = arith.cmpf olt, %slice3A_262, %select_n3A_257 : vector<64x128xf32>
    %select_n3A_267 = arith.select %lt3A_266, %select_n3A_257, %slice3A_262 : vector<64x128xi1>, vector<64x128xf32>
    %select_n3A_268 = arith.select %lt3A_266, %select_n3A_258, %add3A_265 : vector<64x128xi1>, vector<64x128xi32>
    %select_n3A_269 = arith.select %lt3A_266, %slice3A_262, %select_n3A_257 : vector<64x128xi1>, vector<64x128xf32>
    %select_n3A_270 = arith.select %lt3A_266, %add3A_265, %select_n3A_258 : vector<64x128xi1>, vector<64x128xi32>
    %lt3A_271 = arith.cmpf olt, %select_n3A_267, %select_n3A_260 : vector<64x128xf32>
    %select_n3A_272 = arith.select %lt3A_271, %select_n3A_267, %select_n3A_260 : vector<64x128xi1>, vector<64x128xf32>
    %select_n3A_273 = arith.select %lt3A_271, %select_n3A_268, %select_n3A_261 : vector<64x128xi1>, vector<64x128xi32>
    %slice3A_274 = vector.extract_strided_slice %add3A_20 {offsets = [0, 2688], sizes = [64, 128], strides = [1, 1]} : vector<64x4096xf32> to vector<64x128xf32>
    %add3A_275 = arith.constant 2688 : i32
    %add3A_276 = vector.broadcast %add3A_275 : i32 to vector<64x128xi32>
    %add3A_277 = arith.addi %iota3A, %add3A_276 : vector<64x128xi32>
    %lt3A_278 = arith.cmpf olt, %slice3A_274, %select_n3A_269 : vector<64x128xf32>
    %select_n3A_279 = arith.select %lt3A_278, %select_n3A_269, %slice3A_274 : vector<64x128xi1>, vector<64x128xf32>
    %select_n3A_280 = arith.select %lt3A_278, %select_n3A_270, %add3A_277 : vector<64x128xi1>, vector<64x128xi32>
    %select_n3A_281 = arith.select %lt3A_278, %slice3A_274, %select_n3A_269 : vector<64x128xi1>, vector<64x128xf32>
    %select_n3A_282 = arith.select %lt3A_278, %add3A_277, %select_n3A_270 : vector<64x128xi1>, vector<64x128xi32>
    %lt3A_283 = arith.cmpf olt, %select_n3A_279, %select_n3A_272 : vector<64x128xf32>
    %select_n3A_284 = arith.select %lt3A_283, %select_n3A_279, %select_n3A_272 : vector<64x128xi1>, vector<64x128xf32>
    %select_n3A_285 = arith.select %lt3A_283, %select_n3A_280, %select_n3A_273 : vector<64x128xi1>, vector<64x128xi32>
    %slice3A_286 = vector.extract_strided_slice %add3A_20 {offsets = [0, 2816], sizes = [64, 128], strides = [1, 1]} : vector<64x4096xf32> to vector<64x128xf32>
    %add3A_287 = arith.constant 2816 : i32
    %add3A_288 = vector.broadcast %add3A_287 : i32 to vector<64x128xi32>
    %add3A_289 = arith.addi %iota3A, %add3A_288 : vector<64x128xi32>
    %lt3A_290 = arith.cmpf olt, %slice3A_286, %select_n3A_281 : vector<64x128xf32>
    %select_n3A_291 = arith.select %lt3A_290, %select_n3A_281, %slice3A_286 : vector<64x128xi1>, vector<64x128xf32>
    %select_n3A_292 = arith.select %lt3A_290, %select_n3A_282, %add3A_289 : vector<64x128xi1>, vector<64x128xi32>
    %select_n3A_293 = arith.select %lt3A_290, %slice3A_286, %select_n3A_281 : vector<64x128xi1>, vector<64x128xf32>
    %select_n3A_294 = arith.select %lt3A_290, %add3A_289, %select_n3A_282 : vector<64x128xi1>, vector<64x128xi32>
    %lt3A_295 = arith.cmpf olt, %select_n3A_291, %select_n3A_284 : vector<64x128xf32>
    %select_n3A_296 = arith.select %lt3A_295, %select_n3A_291, %select_n3A_284 : vector<64x128xi1>, vector<64x128xf32>
    %select_n3A_297 = arith.select %lt3A_295, %select_n3A_292, %select_n3A_285 : vector<64x128xi1>, vector<64x128xi32>
    %slice3A_298 = vector.extract_strided_slice %add3A_20 {offsets = [0, 2944], sizes = [64, 128], strides = [1, 1]} : vector<64x4096xf32> to vector<64x128xf32>
    %add3A_299 = arith.constant 2944 : i32
    %add3A_300 = vector.broadcast %add3A_299 : i32 to vector<64x128xi32>
    %add3A_301 = arith.addi %iota3A, %add3A_300 : vector<64x128xi32>
    %lt3A_302 = arith.cmpf olt, %slice3A_298, %select_n3A_293 : vector<64x128xf32>
    %select_n3A_303 = arith.select %lt3A_302, %select_n3A_293, %slice3A_298 : vector<64x128xi1>, vector<64x128xf32>
    %select_n3A_304 = arith.select %lt3A_302, %select_n3A_294, %add3A_301 : vector<64x128xi1>, vector<64x128xi32>
    %select_n3A_305 = arith.select %lt3A_302, %slice3A_298, %select_n3A_293 : vector<64x128xi1>, vector<64x128xf32>
    %select_n3A_306 = arith.select %lt3A_302, %add3A_301, %select_n3A_294 : vector<64x128xi1>, vector<64x128xi32>
    %lt3A_307 = arith.cmpf olt, %select_n3A_303, %select_n3A_296 : vector<64x128xf32>
    %select_n3A_308 = arith.select %lt3A_307, %select_n3A_303, %select_n3A_296 : vector<64x128xi1>, vector<64x128xf32>
    %select_n3A_309 = arith.select %lt3A_307, %select_n3A_304, %select_n3A_297 : vector<64x128xi1>, vector<64x128xi32>
    %slice3A_310 = vector.extract_strided_slice %add3A_20 {offsets = [0, 3072], sizes = [64, 128], strides = [1, 1]} : vector<64x4096xf32> to vector<64x128xf32>
    %add3A_311 = arith.constant 3072 : i32
    %add3A_312 = vector.broadcast %add3A_311 : i32 to vector<64x128xi32>
    %add3A_313 = arith.addi %iota3A, %add3A_312 : vector<64x128xi32>
    %lt3A_314 = arith.cmpf olt, %slice3A_310, %select_n3A_305 : vector<64x128xf32>
    %select_n3A_315 = arith.select %lt3A_314, %select_n3A_305, %slice3A_310 : vector<64x128xi1>, vector<64x128xf32>
    %select_n3A_316 = arith.select %lt3A_314, %select_n3A_306, %add3A_313 : vector<64x128xi1>, vector<64x128xi32>
    %select_n3A_317 = arith.select %lt3A_314, %slice3A_310, %select_n3A_305 : vector<64x128xi1>, vector<64x128xf32>
    %select_n3A_318 = arith.select %lt3A_314, %add3A_313, %select_n3A_306 : vector<64x128xi1>, vector<64x128xi32>
    %lt3A_319 = arith.cmpf olt, %select_n3A_315, %select_n3A_308 : vector<64x128xf32>
    %select_n3A_320 = arith.select %lt3A_319, %select_n3A_315, %select_n3A_308 : vector<64x128xi1>, vector<64x128xf32>
    %select_n3A_321 = arith.select %lt3A_319, %select_n3A_316, %select_n3A_309 : vector<64x128xi1>, vector<64x128xi32>
    %slice3A_322 = vector.extract_strided_slice %add3A_20 {offsets = [0, 3200], sizes = [64, 128], strides = [1, 1]} : vector<64x4096xf32> to vector<64x128xf32>
    %add3A_323 = arith.constant 3200 : i32
    %add3A_324 = vector.broadcast %add3A_323 : i32 to vector<64x128xi32>
    %add3A_325 = arith.addi %iota3A, %add3A_324 : vector<64x128xi32>
    %lt3A_326 = arith.cmpf olt, %slice3A_322, %select_n3A_317 : vector<64x128xf32>
    %select_n3A_327 = arith.select %lt3A_326, %select_n3A_317, %slice3A_322 : vector<64x128xi1>, vector<64x128xf32>
    %select_n3A_328 = arith.select %lt3A_326, %select_n3A_318, %add3A_325 : vector<64x128xi1>, vector<64x128xi32>
    %select_n3A_329 = arith.select %lt3A_326, %slice3A_322, %select_n3A_317 : vector<64x128xi1>, vector<64x128xf32>
    %select_n3A_330 = arith.select %lt3A_326, %add3A_325, %select_n3A_318 : vector<64x128xi1>, vector<64x128xi32>
    %lt3A_331 = arith.cmpf olt, %select_n3A_327, %select_n3A_320 : vector<64x128xf32>
    %select_n3A_332 = arith.select %lt3A_331, %select_n3A_327, %select_n3A_320 : vector<64x128xi1>, vector<64x128xf32>
    %select_n3A_333 = arith.select %lt3A_331, %select_n3A_328, %select_n3A_321 : vector<64x128xi1>, vector<64x128xi32>
    %slice3A_334 = vector.extract_strided_slice %add3A_20 {offsets = [0, 3328], sizes = [64, 128], strides = [1, 1]} : vector<64x4096xf32> to vector<64x128xf32>
    %add3A_335 = arith.constant 3328 : i32
    %add3A_336 = vector.broadcast %add3A_335 : i32 to vector<64x128xi32>
    %add3A_337 = arith.addi %iota3A, %add3A_336 : vector<64x128xi32>
    %lt3A_338 = arith.cmpf olt, %slice3A_334, %select_n3A_329 : vector<64x128xf32>
    %select_n3A_339 = arith.select %lt3A_338, %select_n3A_329, %slice3A_334 : vector<64x128xi1>, vector<64x128xf32>
    %select_n3A_340 = arith.select %lt3A_338, %select_n3A_330, %add3A_337 : vector<64x128xi1>, vector<64x128xi32>
    %select_n3A_341 = arith.select %lt3A_338, %slice3A_334, %select_n3A_329 : vector<64x128xi1>, vector<64x128xf32>
    %select_n3A_342 = arith.select %lt3A_338, %add3A_337, %select_n3A_330 : vector<64x128xi1>, vector<64x128xi32>
    %lt3A_343 = arith.cmpf olt, %select_n3A_339, %select_n3A_332 : vector<64x128xf32>
    %select_n3A_344 = arith.select %lt3A_343, %select_n3A_339, %select_n3A_332 : vector<64x128xi1>, vector<64x128xf32>
    %select_n3A_345 = arith.select %lt3A_343, %select_n3A_340, %select_n3A_333 : vector<64x128xi1>, vector<64x128xi32>
    %slice3A_346 = vector.extract_strided_slice %add3A_20 {offsets = [0, 3456], sizes = [64, 128], strides = [1, 1]} : vector<64x4096xf32> to vector<64x128xf32>
    %add3A_347 = arith.constant 3456 : i32
    %add3A_348 = vector.broadcast %add3A_347 : i32 to vector<64x128xi32>
    %add3A_349 = arith.addi %iota3A, %add3A_348 : vector<64x128xi32>
    %lt3A_350 = arith.cmpf olt, %slice3A_346, %select_n3A_341 : vector<64x128xf32>
    %select_n3A_351 = arith.select %lt3A_350, %select_n3A_341, %slice3A_346 : vector<64x128xi1>, vector<64x128xf32>
    %select_n3A_352 = arith.select %lt3A_350, %select_n3A_342, %add3A_349 : vector<64x128xi1>, vector<64x128xi32>
    %select_n3A_353 = arith.select %lt3A_350, %slice3A_346, %select_n3A_341 : vector<64x128xi1>, vector<64x128xf32>
    %select_n3A_354 = arith.select %lt3A_350, %add3A_349, %select_n3A_342 : vector<64x128xi1>, vector<64x128xi32>
    %lt3A_355 = arith.cmpf olt, %select_n3A_351, %select_n3A_344 : vector<64x128xf32>
    %select_n3A_356 = arith.select %lt3A_355, %select_n3A_351, %select_n3A_344 : vector<64x128xi1>, vector<64x128xf32>
    %select_n3A_357 = arith.select %lt3A_355, %select_n3A_352, %select_n3A_345 : vector<64x128xi1>, vector<64x128xi32>
    %slice3A_358 = vector.extract_strided_slice %add3A_20 {offsets = [0, 3584], sizes = [64, 128], strides = [1, 1]} : vector<64x4096xf32> to vector<64x128xf32>
    %add3A_359 = arith.constant 3584 : i32
    %add3A_360 = vector.broadcast %add3A_359 : i32 to vector<64x128xi32>
    %add3A_361 = arith.addi %iota3A, %add3A_360 : vector<64x128xi32>
    %lt3A_362 = arith.cmpf olt, %slice3A_358, %select_n3A_353 : vector<64x128xf32>
    %select_n3A_363 = arith.select %lt3A_362, %select_n3A_353, %slice3A_358 : vector<64x128xi1>, vector<64x128xf32>
    %select_n3A_364 = arith.select %lt3A_362, %select_n3A_354, %add3A_361 : vector<64x128xi1>, vector<64x128xi32>
    %select_n3A_365 = arith.select %lt3A_362, %slice3A_358, %select_n3A_353 : vector<64x128xi1>, vector<64x128xf32>
    %select_n3A_366 = arith.select %lt3A_362, %add3A_361, %select_n3A_354 : vector<64x128xi1>, vector<64x128xi32>
    %lt3A_367 = arith.cmpf olt, %select_n3A_363, %select_n3A_356 : vector<64x128xf32>
    %select_n3A_368 = arith.select %lt3A_367, %select_n3A_363, %select_n3A_356 : vector<64x128xi1>, vector<64x128xf32>
    %select_n3A_369 = arith.select %lt3A_367, %select_n3A_364, %select_n3A_357 : vector<64x128xi1>, vector<64x128xi32>
    %slice3A_370 = vector.extract_strided_slice %add3A_20 {offsets = [0, 3712], sizes = [64, 128], strides = [1, 1]} : vector<64x4096xf32> to vector<64x128xf32>
    %add3A_371 = arith.constant 3712 : i32
    %add3A_372 = vector.broadcast %add3A_371 : i32 to vector<64x128xi32>
    %add3A_373 = arith.addi %iota3A, %add3A_372 : vector<64x128xi32>
    %lt3A_374 = arith.cmpf olt, %slice3A_370, %select_n3A_365 : vector<64x128xf32>
    %select_n3A_375 = arith.select %lt3A_374, %select_n3A_365, %slice3A_370 : vector<64x128xi1>, vector<64x128xf32>
    %select_n3A_376 = arith.select %lt3A_374, %select_n3A_366, %add3A_373 : vector<64x128xi1>, vector<64x128xi32>
    %select_n3A_377 = arith.select %lt3A_374, %slice3A_370, %select_n3A_365 : vector<64x128xi1>, vector<64x128xf32>
    %select_n3A_378 = arith.select %lt3A_374, %add3A_373, %select_n3A_366 : vector<64x128xi1>, vector<64x128xi32>
    %lt3A_379 = arith.cmpf olt, %select_n3A_375, %select_n3A_368 : vector<64x128xf32>
    %select_n3A_380 = arith.select %lt3A_379, %select_n3A_375, %select_n3A_368 : vector<64x128xi1>, vector<64x128xf32>
    %select_n3A_381 = arith.select %lt3A_379, %select_n3A_376, %select_n3A_369 : vector<64x128xi1>, vector<64x128xi32>
    %slice3A_382 = vector.extract_strided_slice %add3A_20 {offsets = [0, 3840], sizes = [64, 128], strides = [1, 1]} : vector<64x4096xf32> to vector<64x128xf32>
    %add3A_383 = arith.constant 3840 : i32
    %add3A_384 = vector.broadcast %add3A_383 : i32 to vector<64x128xi32>
    %add3A_385 = arith.addi %iota3A, %add3A_384 : vector<64x128xi32>
    %lt3A_386 = arith.cmpf olt, %slice3A_382, %select_n3A_377 : vector<64x128xf32>
    %select_n3A_387 = arith.select %lt3A_386, %select_n3A_377, %slice3A_382 : vector<64x128xi1>, vector<64x128xf32>
    %select_n3A_388 = arith.select %lt3A_386, %select_n3A_378, %add3A_385 : vector<64x128xi1>, vector<64x128xi32>
    %select_n3A_389 = arith.select %lt3A_386, %slice3A_382, %select_n3A_377 : vector<64x128xi1>, vector<64x128xf32>
    %select_n3A_390 = arith.select %lt3A_386, %add3A_385, %select_n3A_378 : vector<64x128xi1>, vector<64x128xi32>
    %lt3A_391 = arith.cmpf olt, %select_n3A_387, %select_n3A_380 : vector<64x128xf32>
    %select_n3A_392 = arith.select %lt3A_391, %select_n3A_387, %select_n3A_380 : vector<64x128xi1>, vector<64x128xf32>
    %select_n3A_393 = arith.select %lt3A_391, %select_n3A_388, %select_n3A_381 : vector<64x128xi1>, vector<64x128xi32>
    %slice3A_394 = vector.extract_strided_slice %add3A_20 {offsets = [0, 3968], sizes = [64, 128], strides = [1, 1]} : vector<64x4096xf32> to vector<64x128xf32>
    %add3A_395 = arith.constant 3968 : i32
    %add3A_396 = vector.broadcast %add3A_395 : i32 to vector<64x128xi32>
    %add3A_397 = arith.addi %iota3A, %add3A_396 : vector<64x128xi32>
    %lt3A_398 = arith.cmpf olt, %slice3A_394, %select_n3A_389 : vector<64x128xf32>
    %select_n3A_399 = arith.select %lt3A_398, %select_n3A_389, %slice3A_394 : vector<64x128xi1>, vector<64x128xf32>
    %select_n3A_400 = arith.select %lt3A_398, %select_n3A_390, %add3A_397 : vector<64x128xi1>, vector<64x128xi32>
    %select_n3A_401 = arith.select %lt3A_398, %slice3A_394, %select_n3A_389 : vector<64x128xi1>, vector<64x128xf32>
    %select_n3A_402 = arith.select %lt3A_398, %add3A_397, %select_n3A_390 : vector<64x128xi1>, vector<64x128xi32>
    %lt3A_403 = arith.cmpf olt, %select_n3A_399, %select_n3A_392 : vector<64x128xf32>
    %select_n3A_404 = arith.select %lt3A_403, %select_n3A_399, %select_n3A_392 : vector<64x128xi1>, vector<64x128xf32>
    %select_n3A_405 = arith.select %lt3A_403, %select_n3A_400, %select_n3A_393 : vector<64x128xi1>, vector<64x128xi32>
    %concatenate3A = tpu.concatenate %select_n3A_401, %select_n3A_404 in 1 : vector<64x128xf32>, vector<64x128xf32> -> vector<64x256xf32>
    %concatenate3A_406 = tpu.concatenate %select_n3A_402, %select_n3A_405 in 1 : vector<64x128xi32>, vector<64x128xi32> -> vector<64x256xi32>
    %iota3A_407 = tpu.iota {dimensions = array<i32: 1>} : vector<64x32xi32>
    %broadcast_in_dim3A_408 = arith.constant 0 : i32
    %broadcast_in_dim3A_409 = vector.broadcast %broadcast_in_dim3A_408 : i32 to vector<64x32xi32>
    %scan3A = arith.constant 0x7F800000 : f32
    %scan3A_410 = arith.constant 0 : i32
    %scan3A_411 = arith.constant 32 : i32
    %scan3A_412 = arith.addi %scan3A_410, %scan3A_411 : i32
    %scan3A_413 = arith.constant 1 : i32
    %scan3A_414:2 = scf.for %scan3A_421 = %scan3A_410 to %scan3A_412 step %scan3A_413 iter_args(%scan3A_422 = %concatenate3A, %scan3A_423 = %broadcast_in_dim3A_409) -> (vector<64x256xf32>, vector<64x32xi32>)  : i32 {
      %reduce_min3A = arith.constant dense<0x7F800000> : vector<64xf32>
      %reduce_min3A_424 = vector.multi_reduction <minimumf>, %scan3A_422, %reduce_min3A [1] : vector<64x256xf32> to vector<64xf32>
      %broadcast_in_dim3A_425 = vector.shape_cast %reduce_min3A_424 : vector<64xf32> to vector<64x1xf32>
      %eq3A = vector.broadcast %broadcast_in_dim3A_425 : vector<64x1xf32> to vector<64x256xf32>
      %eq3A_426 = arith.cmpf oeq, %scan3A_422, %eq3A : vector<64x256xf32>
      %jit3A = arith.constant 4096 : i32
      %broadcast_in_dim3A_427 = vector.broadcast %jit3A : i32 to vector<64x256xi32>
      %select_n3A_428 = arith.select %eq3A_426, %concatenate3A_406, %broadcast_in_dim3A_427 : vector<64x256xi1>, vector<64x256xi32>
      %reduce_min3A_429 = arith.constant dense<2147483647> : vector<64xi32>
      %reduce_min3A_430 = vector.multi_reduction <minsi>, %select_n3A_428, %reduce_min3A_429 [1] : vector<64x256xi32> to vector<64xi32>
      %broadcast_in_dim3A_431 = vector.shape_cast %reduce_min3A_430 : vector<64xi32> to vector<64x1xi32>
      %eq3A_432 = vector.broadcast %broadcast_in_dim3A_425 : vector<64x1xf32> to vector<64x256xf32>
      %eq3A_433 = arith.cmpf oeq, %scan3A_422, %eq3A_432 : vector<64x256xf32>
      %eq3A_434 = vector.broadcast %broadcast_in_dim3A_431 : vector<64x1xi32> to vector<64x256xi32>
      %eq3A_435 = arith.cmpi eq, %concatenate3A_406, %eq3A_434 : vector<64x256xi32>
      %and3A = arith.andi %eq3A_433, %eq3A_435 : vector<64x256xi1>
      %broadcast_in_dim3A_436 = vector.broadcast %scan3A : f32 to vector<64x256xf32>
      %select_n3A_437 = arith.select %and3A, %broadcast_in_dim3A_436, %scan3A_422 : vector<64x256xi1>, vector<64x256xf32>
      %eq3A_438 = vector.broadcast %scan3A_421 : i32 to vector<64x32xi32>
      %eq3A_439 = arith.cmpi eq, %iota3A_407, %eq3A_438 : vector<64x32xi32>
      %broadcast_in_dim3A_440 = vector.shape_cast %broadcast_in_dim3A_431 : vector<64x1xi32> to vector<64x1xi32>
      %broadcast_in_dim3A_441 = vector.broadcast %broadcast_in_dim3A_440 : vector<64x1xi32> to vector<64x32xi32>
      %select_n3A_442 = arith.select %eq3A_439, %broadcast_in_dim3A_441, %scan3A_423 : vector<64x32xi1>, vector<64x32xi32>
      scf.yield %select_n3A_437, %select_n3A_442 : vector<64x256xf32>, vector<64x32xi32>
    }
    %scan3A_415 = arith.constant 32 : i32
    %swap3A = arith.constant 0 : index
    %swap3A_416 = arith.constant 0 : index
    %swap3A_417 = arith.constant 0 : index
    %swap3A_418 = vector.load %arg4[%swap3A, %swap3A_416, %swap3A_417] : memref<1x64x32xi32, #tpu.memory_space<vmem>>, vector<1x64x32xi32>
    %swap3A_419 = vector.shape_cast %swap3A_418 : vector<1x64x32xi32> to vector<64x32xi32>
    %swap3A_420 = vector.shape_cast %scan3A_414#1 : vector<64x32xi32> to vector<1x64x32xi32>
    tpu.vector_store %arg4[%swap3A, %swap3A_416, %swap3A_417], %swap3A_420 {strides = array<i32>} : memref<1x64x32xi32, #tpu.memory_space<vmem>>, vector<1x64x32xi32>,
    return
  }
  func.func @transform_0(%arg0: i32, %arg1: i32) -> (i32, i32, i32) {
    %c0_i32 = arith.constant 0 : i32
    %c0_i32_0 = arith.constant 0 : i32
    return %arg0, %arg1, %c0_i32 : i32, i32, i32
  }
  func.func @transform_1(%arg0: i32, %arg1: i32) -> (i32, i32, i32) {
    %c0_i32 = arith.constant 0 : i32
    %c0_i32_0 = arith.constant 0 : i32
    %c0_i32_1 = arith.constant 0 : i32
    return %arg0, %c0_i32, %c0_i32_0 : i32, i32, i32
  }
  func.func @transform_2(%arg0: i32, %arg1: i32) -> (i32, i32, i32) {
    %c0_i32 = arith.constant 0 : i32
    %c0_i32_0 = arith.constant 0 : i32
    return %arg0, %arg1, %c0_i32 : i32, i32, i32
  }
}

module attributes {stable_mosaic.version = 14 : i64} {
  func.func @_p1_body(%arg0: i32, %arg1: memref<512x3xf32, #tpu.memory_space<vmem>>, %arg2: memref<512x64xf32, #tpu.memory_space<vmem>>, %arg3: memref<3x128xf32, #tpu.memory_space<vmem>>, %arg4: memref<64x128xf32, #tpu.memory_space<vmem>>, %arg5: memref<512x128xf32, #tpu.memory_space<vmem>>) attributes {dimension_semantics = [#tpu.dimension_semantics<arbitrary>], iteration_bounds = array<i64: 64>, scalar_prefetch = 0 : i64, scratch_operands = 0 : i64, tpu.core_type = #tpu.core_type<tc>, window_params = [{transform_indices = @transform_0, window_bounds = array<i64: 512, 3>}, {transform_indices = @transform_1, window_bounds = array<i64: 512, 64>}, {pipeline_mode = #tpu.pipeline_mode<synchronous>, transform_indices = @transform_2, window_bounds = array<i64: 3, 128>}, {pipeline_mode = #tpu.pipeline_mode<synchronous>, transform_indices = @transform_3, window_bounds = array<i64: 64, 128>}, {transform_indices = @transform_4, window_bounds = array<i64: 512, 128>}]} {
    %get3A = arith.constant 0 : index
    %get3A_0 = arith.constant 0 : index
    %get3A_1 = vector.load %arg1[%get3A, %get3A_0] : memref<512x3xf32, #tpu.memory_space<vmem>>, vector<512x3xf32>
    %get3A_2 = arith.constant 0 : index
    %get3A_3 = arith.constant 0 : index
    %get3A_4 = vector.load %arg3[%get3A_2, %get3A_3] : memref<3x128xf32, #tpu.memory_space<vmem>>, vector<3x128xf32>
    %dot_general3A = arith.constant dense<0.000000e+00> : vector<512x128xf32>
    %dot_general3A_5 = tpu.matmul %get3A_1, %get3A_4, %dot_general3A {dimension_numbers = #tpu.dot_dimension_numbers<[1], [0], [0], [1], [0, 0, 1, 1], [], []>, transpose_lhs_hint = false} : vector<512x3xf32>, vector<3x128xf32>, vector<512x128xf32> -> vector<512x128xf32>
    %get3A_6 = arith.constant 0 : index
    %get3A_7 = arith.constant 0 : index
    %get3A_8 = vector.load %arg2[%get3A_6, %get3A_7] : memref<512x64xf32, #tpu.memory_space<vmem>>, vector<512x64xf32>
    %get3A_9 = arith.constant 0 : index
    %get3A_10 = arith.constant 0 : index
    %get3A_11 = vector.load %arg4[%get3A_9, %get3A_10] : memref<64x128xf32, #tpu.memory_space<vmem>>, vector<64x128xf32>
    %dot_general3A_12 = arith.constant dense<0.000000e+00> : vector<512x128xf32>
    %dot_general3A_13 = tpu.matmul %get3A_8, %get3A_11, %dot_general3A_12 {dimension_numbers = #tpu.dot_dimension_numbers<[1], [0], [0], [1], [0, 0, 1, 1], [], []>, transpose_lhs_hint = false} : vector<512x64xf32>, vector<64x128xf32>, vector<512x128xf32> -> vector<512x128xf32>
    %add3A = arith.addf %dot_general3A_5, %dot_general3A_13 : vector<512x128xf32>
    %swap3A = arith.constant 0 : index
    %swap3A_14 = arith.constant 0 : index
    %swap3A_15 = vector.load %arg5[%swap3A, %swap3A_14] : memref<512x128xf32, #tpu.memory_space<vmem>>, vector<512x128xf32>
    tpu.vector_store %arg5[%swap3A, %swap3A_14], %add3A {strides = array<i32>} : memref<512x128xf32, #tpu.memory_space<vmem>>, vector<512x128xf32>,
    return
  }
  func.func @transform_0(%arg0: i32) -> (i32, i32) {
    %c0_i32 = arith.constant 0 : i32
    %c0_i32_0 = arith.constant 0 : i32
    return %arg0, %c0_i32 : i32, i32
  }
  func.func @transform_1(%arg0: i32) -> (i32, i32) {
    %c0_i32 = arith.constant 0 : i32
    %c0_i32_0 = arith.constant 0 : i32
    return %arg0, %c0_i32 : i32, i32
  }
  func.func @transform_2(%arg0: i32) -> (i32, i32) {
    %c0_i32 = arith.constant 0 : i32
    %c0_i32_0 = arith.constant 0 : i32
    %c0_i32_1 = arith.constant 0 : i32
    return %c0_i32, %c0_i32_0 : i32, i32
  }
  func.func @transform_3(%arg0: i32) -> (i32, i32) {
    %c0_i32 = arith.constant 0 : i32
    %c0_i32_0 = arith.constant 0 : i32
    %c0_i32_1 = arith.constant 0 : i32
    return %c0_i32, %c0_i32_0 : i32, i32
  }
  func.func @transform_4(%arg0: i32) -> (i32, i32) {
    %c0_i32 = arith.constant 0 : i32
    %c0_i32_0 = arith.constant 0 : i32
    return %arg0, %c0_i32 : i32, i32
  }
}

module attributes {stable_mosaic.version = 14 : i64} {
  func.func @_mlp_body(%arg0: i32, %arg1: memref<4096x128xf32, #tpu.memory_space<vmem>>, %arg2: memref<128x3xf32, #tpu.memory_space<vmem>>, %arg3: memref<128x64xf32, #tpu.memory_space<vmem>>, %arg4: memref<3x128xf32, #tpu.memory_space<vmem>>, %arg5: memref<64x128xf32, #tpu.memory_space<vmem>>, %arg6: memref<1x128xf32, #tpu.memory_space<vmem>>, %arg7: memref<128x128xf32, #tpu.memory_space<vmem>>, %arg8: memref<1x128xf32, #tpu.memory_space<vmem>>, %arg9: memref<128x256xf32, #tpu.memory_space<vmem>>, %arg10: memref<1x256xf32, #tpu.memory_space<vmem>>, %arg11: memref<3x256xf32, #tpu.memory_space<vmem>>, %arg12: memref<1x256xf32, #tpu.memory_space<vmem>>, %arg13: memref<256x256xf32, #tpu.memory_space<vmem>>, %arg14: memref<1x256xf32, #tpu.memory_space<vmem>>, %arg15: memref<128x256xf32, #tpu.memory_space<vmem>>) attributes {dimension_semantics = [#tpu.dimension_semantics<arbitrary>], iteration_bounds = array<i64: 64>, scalar_prefetch = 0 : i64, scratch_operands = 0 : i64, tpu.core_type = #tpu.core_type<tc>, window_params = [{transform_indices = @transform_0, window_bounds = array<i64: 4096, 128>}, {transform_indices = @transform_1, window_bounds = array<i64: 128, 3>}, {transform_indices = @transform_2, window_bounds = array<i64: 128, 64>}, {pipeline_mode = #tpu.pipeline_mode<synchronous>, transform_indices = @transform_3, window_bounds = array<i64: 3, 128>}, {pipeline_mode = #tpu.pipeline_mode<synchronous>, transform_indices = @transform_4, window_bounds = array<i64: 64, 128>}, {pipeline_mode = #tpu.pipeline_mode<synchronous>, transform_indices = @transform_5, window_bounds = array<i64: 1, 128>}, {pipeline_mode = #tpu.pipeline_mode<synchronous>, transform_indices = @transform_6, window_bounds = array<i64: 128, 128>}, {pipeline_mode = #tpu.pipeline_mode<synchronous>, transform_indices = @transform_7, window_bounds = array<i64: 1, 128>}, {pipeline_mode = #tpu.pipeline_mode<synchronous>, transform_indices = @transform_8, window_bounds = array<i64: 128, 256>}, {pipeline_mode = #tpu.pipeline_mode<synchronous>, transform_indices = @transform_9, window_bounds = array<i64: 1, 256>}, {pipeline_mode = #tpu.pipeline_mode<synchronous>, transform_indices = @transform_10, window_bounds = array<i64: 3, 256>}, {pipeline_mode = #tpu.pipeline_mode<synchronous>, transform_indices = @transform_11, window_bounds = array<i64: 1, 256>}, {pipeline_mode = #tpu.pipeline_mode<synchronous>, transform_indices = @transform_12, window_bounds = array<i64: 256, 256>}, {pipeline_mode = #tpu.pipeline_mode<synchronous>, transform_indices = @transform_13, window_bounds = array<i64: 1, 256>}, {transform_indices = @transform_14, window_bounds = array<i64: 128, 256>}]} {
    %get3A = arith.constant 0 : index
    %get3A_0 = arith.constant 0 : index
    %get3A_1 = vector.load %arg2[%get3A, %get3A_0] : memref<128x3xf32, #tpu.memory_space<vmem>>, vector<128x3xf32>
    %get3A_2 = arith.constant 0 : index
    %get3A_3 = arith.constant 0 : index
    %get3A_4 = vector.load %arg3[%get3A_2, %get3A_3] : memref<128x64xf32, #tpu.memory_space<vmem>>, vector<128x64xf32>
    %get3A_5 = arith.constant 0 : index
    %get3A_6 = arith.constant 0 : index
    %get3A_7 = vector.load %arg6[%get3A_5, %get3A_6] : memref<1x128xf32, #tpu.memory_space<vmem>>, vector<1x128xf32>
    %get3A_8 = arith.constant 0 : index
    %get3A_9 = arith.constant 0 : index
    %get3A_10 = vector.load %arg4[%get3A_8, %get3A_9] : memref<3x128xf32, #tpu.memory_space<vmem>>, vector<3x128xf32>
    %dot_general3A = arith.constant dense<0.000000e+00> : vector<128x128xf32>
    %dot_general3A_11 = tpu.matmul %get3A_1, %get3A_10, %dot_general3A {dimension_numbers = #tpu.dot_dimension_numbers<[1], [0], [0], [1], [0, 0, 1, 1], [], []>, transpose_lhs_hint = false} : vector<128x3xf32>, vector<3x128xf32>, vector<128x128xf32> -> vector<128x128xf32>
    %sub3A = vector.broadcast %get3A_7 : vector<1x128xf32> to vector<128x128xf32>
    %sub3A_12 = arith.subf %sub3A, %dot_general3A_11 : vector<128x128xf32>
    %get3A_13 = arith.constant 0 : index
    %get3A_14 = arith.constant 0 : index
    %get3A_15 = vector.load %arg5[%get3A_13, %get3A_14] : memref<64x128xf32, #tpu.memory_space<vmem>>, vector<64x128xf32>
    %dot_general3A_16 = arith.constant dense<0.000000e+00> : vector<128x128xf32>
    %dot_general3A_17 = tpu.matmul %get3A_4, %get3A_15, %dot_general3A_16 {dimension_numbers = #tpu.dot_dimension_numbers<[1], [0], [0], [1], [0, 0, 1, 1], [], []>, transpose_lhs_hint = false} : vector<128x64xf32>, vector<64x128xf32>, vector<128x128xf32> -> vector<128x128xf32>
    %add3A = arith.addf %sub3A_12, %dot_general3A_17 : vector<128x128xf32>
    %get3A_18 = arith.constant 0 : index
    %get3A_19 = arith.constant 0 : index
    %get3A_20 = vector.load %arg1[%get3A_18, %get3A_19] : memref<4096x128xf32, #tpu.memory_space<vmem>>, vector<4096x128xf32>
    %reshape3A = vector.shape_cast %get3A_20 : vector<4096x128xf32> to vector<128x32x128xf32>
    %broadcast_in_dim3A = vector.shape_cast %add3A : vector<128x128xf32> to vector<128x1x128xf32>
    %add3A_21 = vector.broadcast %broadcast_in_dim3A : vector<128x1x128xf32> to vector<128x32x128xf32>
    %add3A_22 = arith.addf %reshape3A, %add3A_21 : vector<128x32x128xf32>
    %max3A = arith.constant 0.000000e+00 : f32
    %max3A_23 = vector.broadcast %max3A : f32 to vector<128x32x128xf32>
    %max3A_24 = arith.maximumf %add3A_22, %max3A_23 : vector<128x32x128xf32>
    %reshape3A_25 = vector.shape_cast %max3A_24 : vector<128x32x128xf32> to vector<4096x128xf32>
    %get3A_26 = arith.constant 0 : index
    %get3A_27 = arith.constant 0 : index
    %get3A_28 = vector.load %arg7[%get3A_26, %get3A_27] : memref<128x128xf32, #tpu.memory_space<vmem>>, vector<128x128xf32>
    %dot_general3A_29 = arith.constant dense<0.000000e+00> : vector<4096x128xf32>
    %dot_general3A_30 = tpu.matmul %reshape3A_25, %get3A_28, %dot_general3A_29 {dimension_numbers = #tpu.dot_dimension_numbers<[1], [0], [0], [1], [0, 0, 1, 1], [], []>, transpose_lhs_hint = false} : vector<4096x128xf32>, vector<128x128xf32>, vector<4096x128xf32> -> vector<4096x128xf32>
    %get3A_31 = arith.constant 0 : index
    %get3A_32 = arith.constant 0 : index
    %get3A_33 = vector.load %arg8[%get3A_31, %get3A_32] : memref<1x128xf32, #tpu.memory_space<vmem>>, vector<1x128xf32>
    %add3A_34 = vector.broadcast %get3A_33 : vector<1x128xf32> to vector<4096x128xf32>
    %add3A_35 = arith.addf %dot_general3A_30, %add3A_34 : vector<4096x128xf32>
    %max3A_36 = arith.constant 0.000000e+00 : f32
    %max3A_37 = vector.broadcast %max3A_36 : f32 to vector<4096x128xf32>
    %max3A_38 = arith.maximumf %add3A_35, %max3A_37 : vector<4096x128xf32>
    %get3A_39 = arith.constant 0 : index
    %get3A_40 = arith.constant 0 : index
    %get3A_41 = vector.load %arg9[%get3A_39, %get3A_40] : memref<128x256xf32, #tpu.memory_space<vmem>>, vector<128x256xf32>
    %dot_general3A_42 = arith.constant dense<0.000000e+00> : vector<4096x256xf32>
    %dot_general3A_43 = tpu.matmul %max3A_38, %get3A_41, %dot_general3A_42 {dimension_numbers = #tpu.dot_dimension_numbers<[1], [0], [0], [1], [0, 0, 1, 1], [], []>, transpose_lhs_hint = false} : vector<4096x128xf32>, vector<128x256xf32>, vector<4096x256xf32> -> vector<4096x256xf32>
    %get3A_44 = arith.constant 0 : index
    %get3A_45 = arith.constant 0 : index
    %get3A_46 = vector.load %arg10[%get3A_44, %get3A_45] : memref<1x256xf32, #tpu.memory_space<vmem>>, vector<1x256xf32>
    %add3A_47 = vector.broadcast %get3A_46 : vector<1x256xf32> to vector<4096x256xf32>
    %add3A_48 = arith.addf %dot_general3A_43, %add3A_47 : vector<4096x256xf32>
    %max3A_49 = arith.constant 0.000000e+00 : f32
    %max3A_50 = vector.broadcast %max3A_49 : f32 to vector<4096x256xf32>
    %max3A_51 = arith.maximumf %add3A_48, %max3A_50 : vector<4096x256xf32>
    %reshape3A_52 = vector.shape_cast %max3A_51 : vector<4096x256xf32> to vector<128x32x256xf32>
    %reduce_max3A = arith.constant dense<0xFF800000> : vector<128x256xf32>
    %reduce_max3A_53 = vector.multi_reduction <maximumf>, %reshape3A_52, %reduce_max3A [1] : vector<128x32x256xf32> to vector<128x256xf32>
    %get3A_54 = arith.constant 0 : index
    %get3A_55 = arith.constant 0 : index
    %get3A_56 = vector.load %arg11[%get3A_54, %get3A_55] : memref<3x256xf32, #tpu.memory_space<vmem>>, vector<3x256xf32>
    %dot_general3A_57 = arith.constant dense<0.000000e+00> : vector<128x256xf32>
    %dot_general3A_58 = tpu.matmul %get3A_1, %get3A_56, %dot_general3A_57 {dimension_numbers = #tpu.dot_dimension_numbers<[1], [0], [0], [1], [0, 0, 1, 1], [], []>, transpose_lhs_hint = false} : vector<128x3xf32>, vector<3x256xf32>, vector<128x256xf32> -> vector<128x256xf32>
    %get3A_59 = arith.constant 0 : index
    %get3A_60 = arith.constant 0 : index
    %get3A_61 = vector.load %arg12[%get3A_59, %get3A_60] : memref<1x256xf32, #tpu.memory_space<vmem>>, vector<1x256xf32>
    %add3A_62 = vector.broadcast %get3A_61 : vector<1x256xf32> to vector<128x256xf32>
    %add3A_63 = arith.addf %dot_general3A_58, %add3A_62 : vector<128x256xf32>
    %max3A_64 = arith.constant 0.000000e+00 : f32
    %max3A_65 = vector.broadcast %max3A_64 : f32 to vector<128x256xf32>
    %max3A_66 = arith.maximumf %add3A_63, %max3A_65 : vector<128x256xf32>
    %get3A_67 = arith.constant 0 : index
    %get3A_68 = arith.constant 0 : index
    %get3A_69 = vector.load %arg13[%get3A_67, %get3A_68] : memref<256x256xf32, #tpu.memory_space<vmem>>, vector<256x256xf32>
    %dot_general3A_70 = arith.constant dense<0.000000e+00> : vector<128x256xf32>
    %dot_general3A_71 = tpu.matmul %max3A_66, %get3A_69, %dot_general3A_70 {dimension_numbers = #tpu.dot_dimension_numbers<[1], [0], [0], [1], [0, 0, 1, 1], [], []>, transpose_lhs_hint = false} : vector<128x256xf32>, vector<256x256xf32>, vector<128x256xf32> -> vector<128x256xf32>
    %get3A_72 = arith.constant 0 : index
    %get3A_73 = arith.constant 0 : index
    %get3A_74 = vector.load %arg14[%get3A_72, %get3A_73] : memref<1x256xf32, #tpu.memory_space<vmem>>, vector<1x256xf32>
    %add3A_75 = vector.broadcast %get3A_74 : vector<1x256xf32> to vector<128x256xf32>
    %add3A_76 = arith.addf %dot_general3A_71, %add3A_75 : vector<128x256xf32>
    %add3A_77 = arith.addf %reduce_max3A_53, %add3A_76 : vector<128x256xf32>
    %swap3A = arith.constant 0 : index
    %swap3A_78 = arith.constant 0 : index
    %swap3A_79 = vector.load %arg15[%swap3A, %swap3A_78] : memref<128x256xf32, #tpu.memory_space<vmem>>, vector<128x256xf32>
    tpu.vector_store %arg15[%swap3A, %swap3A_78], %add3A_77 {strides = array<i32>} : memref<128x256xf32, #tpu.memory_space<vmem>>, vector<128x256xf32>,
    return
  }
  func.func @transform_0(%arg0: i32) -> (i32, i32) {
    %c0_i32 = arith.constant 0 : i32
    %c0_i32_0 = arith.constant 0 : i32
    return %arg0, %c0_i32 : i32, i32
  }
  func.func @transform_1(%arg0: i32) -> (i32, i32) {
    %c0_i32 = arith.constant 0 : i32
    %c0_i32_0 = arith.constant 0 : i32
    return %arg0, %c0_i32 : i32, i32
  }
  func.func @transform_2(%arg0: i32) -> (i32, i32) {
    %c0_i32 = arith.constant 0 : i32
    %c0_i32_0 = arith.constant 0 : i32
    return %arg0, %c0_i32 : i32, i32
  }
  func.func @transform_3(%arg0: i32) -> (i32, i32) {
    %c0_i32 = arith.constant 0 : i32
    %c0_i32_0 = arith.constant 0 : i32
    %c0_i32_1 = arith.constant 0 : i32
    return %c0_i32, %c0_i32_0 : i32, i32
  }
  func.func @transform_4(%arg0: i32) -> (i32, i32) {
    %c0_i32 = arith.constant 0 : i32
    %c0_i32_0 = arith.constant 0 : i32
    %c0_i32_1 = arith.constant 0 : i32
    return %c0_i32, %c0_i32_0 : i32, i32
  }
  func.func @transform_5(%arg0: i32) -> (i32, i32) {
    %c0_i32 = arith.constant 0 : i32
    %c0_i32_0 = arith.constant 0 : i32
    %c0_i32_1 = arith.constant 0 : i32
    return %c0_i32, %c0_i32_0 : i32, i32
  }
  func.func @transform_6(%arg0: i32) -> (i32, i32) {
    %c0_i32 = arith.constant 0 : i32
    %c0_i32_0 = arith.constant 0 : i32
    %c0_i32_1 = arith.constant 0 : i32
    return %c0_i32, %c0_i32_0 : i32, i32
  }
  func.func @transform_7(%arg0: i32) -> (i32, i32) {
    %c0_i32 = arith.constant 0 : i32
    %c0_i32_0 = arith.constant 0 : i32
    %c0_i32_1 = arith.constant 0 : i32
    return %c0_i32, %c0_i32_0 : i32, i32
  }
  func.func @transform_8(%arg0: i32) -> (i32, i32) {
    %c0_i32 = arith.constant 0 : i32
    %c0_i32_0 = arith.constant 0 : i32
    %c0_i32_1 = arith.constant 0 : i32
    return %c0_i32, %c0_i32_0 : i32, i32
  }
  func.func @transform_9(%arg0: i32) -> (i32, i32) {
    %c0_i32 = arith.constant 0 : i32
    %c0_i32_0 = arith.constant 0 : i32
    %c0_i32_1 = arith.constant 0 : i32
    return %c0_i32, %c0_i32_0 : i32, i32
  }
  func.func @transform_10(%arg0: i32) -> (i32, i32) {
    %c0_i32 = arith.constant 0 : i32
    %c0_i32_0 = arith.constant 0 : i32
    %c0_i32_1 = arith.constant 0 : i32
    return %c0_i32, %c0_i32_0 : i32, i32
  }
  func.func @transform_11(%arg0: i32) -> (i32, i32) {
    %c0_i32 = arith.constant 0 : i32
    %c0_i32_0 = arith.constant 0 : i32
    %c0_i32_1 = arith.constant 0 : i32
    return %c0_i32, %c0_i32_0 : i32, i32
  }
  func.func @transform_12(%arg0: i32) -> (i32, i32) {
    %c0_i32 = arith.constant 0 : i32
    %c0_i32_0 = arith.constant 0 : i32
    %c0_i32_1 = arith.constant 0 : i32
    return %c0_i32, %c0_i32_0 : i32, i32
  }
  func.func @transform_13(%arg0: i32) -> (i32, i32) {
    %c0_i32 = arith.constant 0 : i32
    %c0_i32_0 = arith.constant 0 : i32
    %c0_i32_1 = arith.constant 0 : i32
    return %c0_i32, %c0_i32_0 : i32, i32
  }
  func.func @transform_14(%arg0: i32) -> (i32, i32) {
    %c0_i32 = arith.constant 0 : i32
    %c0_i32_0 = arith.constant 0 : i32
    return %arg0, %c0_i32 : i32, i32
  }
}

module attributes {stable_mosaic.version = 14 : i64} {
  func.func @_attn_body(%arg0: i32, %arg1: memref<1x1024x256xf32, #tpu.memory_space<vmem>>, %arg2: memref<256x256xf32, #tpu.memory_space<vmem>>, %arg3: memref<256x256xf32, #tpu.memory_space<vmem>>, %arg4: memref<256x256xf32, #tpu.memory_space<vmem>>, %arg5: memref<256x256xf32, #tpu.memory_space<vmem>>, %arg6: memref<1x256xf32, #tpu.memory_space<vmem>>, %arg7: memref<1x1024x256xf32, #tpu.memory_space<vmem>>) attributes {dimension_semantics = [#tpu.dimension_semantics<arbitrary>], iteration_bounds = array<i64: 8>, scalar_prefetch = 0 : i64, scratch_operands = 0 : i64, tpu.core_type = #tpu.core_type<tc>, window_params = [{transform_indices = @transform_0, window_bounds = array<i64: 1, 1024, 256>}, {pipeline_mode = #tpu.pipeline_mode<synchronous>, transform_indices = @transform_1, window_bounds = array<i64: 256, 256>}, {pipeline_mode = #tpu.pipeline_mode<synchronous>, transform_indices = @transform_2, window_bounds = array<i64: 256, 256>}, {pipeline_mode = #tpu.pipeline_mode<synchronous>, transform_indices = @transform_3, window_bounds = array<i64: 256, 256>}, {pipeline_mode = #tpu.pipeline_mode<synchronous>, transform_indices = @transform_4, window_bounds = array<i64: 256, 256>}, {pipeline_mode = #tpu.pipeline_mode<synchronous>, transform_indices = @transform_5, window_bounds = array<i64: 1, 256>}, {transform_indices = @transform_6, window_bounds = array<i64: 1, 1024, 256>}]} {
    %get3A = arith.constant 0 : index
    %get3A_0 = arith.constant 0 : index
    %get3A_1 = arith.constant 0 : index
    %get3A_2 = vector.load %arg1[%get3A, %get3A_0, %get3A_1] : memref<1x1024x256xf32, #tpu.memory_space<vmem>>, vector<1x1024x256xf32>
    %get3A_3 = vector.shape_cast %get3A_2 : vector<1x1024x256xf32> to vector<1024x256xf32>
    %get3A_4 = arith.constant 0 : index
    %get3A_5 = arith.constant 0 : index
    %get3A_6 = vector.load %arg2[%get3A_4, %get3A_5] : memref<256x256xf32, #tpu.memory_space<vmem>>, vector<256x256xf32>
    %dot_general3A = arith.constant dense<0.000000e+00> : vector<1024x256xf32>
    %dot_general3A_7 = tpu.matmul %get3A_3, %get3A_6, %dot_general3A {dimension_numbers = #tpu.dot_dimension_numbers<[1], [0], [0], [1], [0, 0, 1, 1], [], []>, transpose_lhs_hint = false} : vector<1024x256xf32>, vector<256x256xf32>, vector<1024x256xf32> -> vector<1024x256xf32>
    %get3A_8 = arith.constant 0 : index
    %get3A_9 = arith.constant 0 : index
    %get3A_10 = vector.load %arg3[%get3A_8, %get3A_9] : memref<256x256xf32, #tpu.memory_space<vmem>>, vector<256x256xf32>
    %dot_general3A_11 = arith.constant dense<0.000000e+00> : vector<1024x256xf32>
    %dot_general3A_12 = tpu.matmul %get3A_3, %get3A_10, %dot_general3A_11 {dimension_numbers = #tpu.dot_dimension_numbers<[1], [0], [0], [1], [0, 0, 1, 1], [], []>, transpose_lhs_hint = false} : vector<1024x256xf32>, vector<256x256xf32>, vector<1024x256xf32> -> vector<1024x256xf32>
    %get3A_13 = arith.constant 0 : index
    %get3A_14 = arith.constant 0 : index
    %get3A_15 = vector.load %arg4[%get3A_13, %get3A_14] : memref<256x256xf32, #tpu.memory_space<vmem>>, vector<256x256xf32>
    %dot_general3A_16 = arith.constant dense<0.000000e+00> : vector<1024x256xf32>
    %dot_general3A_17 = tpu.matmul %get3A_3, %get3A_15, %dot_general3A_16 {dimension_numbers = #tpu.dot_dimension_numbers<[1], [0], [0], [1], [0, 0, 1, 1], [], []>, transpose_lhs_hint = false} : vector<1024x256xf32>, vector<256x256xf32>, vector<1024x256xf32> -> vector<1024x256xf32>
    %gt3A = arith.constant 0.000000e+00 : f32
    %gt3A_18 = vector.broadcast %gt3A : f32 to vector<1024x256xf32>
    %gt3A_19 = arith.cmpf ogt, %dot_general3A_7, %gt3A_18 : vector<1024x256xf32>
    %add3A = arith.constant 1.000000e+00 : f32
    %add3A_20 = vector.broadcast %add3A : f32 to vector<1024x256xf32>
    %add3A_21 = arith.addf %dot_general3A_7, %add3A_20 : vector<1024x256xf32>
    %exp3A = math.exp %dot_general3A_7 : vector<1024x256xf32>
    %select_n3A = arith.select %gt3A_19, %add3A_21, %exp3A : vector<1024x256xi1>, vector<1024x256xf32>
    %gt3A_22 = arith.constant 0.000000e+00 : f32
    %gt3A_23 = vector.broadcast %gt3A_22 : f32 to vector<1024x256xf32>
    %gt3A_24 = arith.cmpf ogt, %dot_general3A_12, %gt3A_23 : vector<1024x256xf32>
    %add3A_25 = arith.constant 1.000000e+00 : f32
    %add3A_26 = vector.broadcast %add3A_25 : f32 to vector<1024x256xf32>
    %add3A_27 = arith.addf %dot_general3A_12, %add3A_26 : vector<1024x256xf32>
    %exp3A_28 = math.exp %dot_general3A_12 : vector<1024x256xf32>
    %select_n3A_29 = arith.select %gt3A_24, %add3A_27, %exp3A_28 : vector<1024x256xi1>, vector<1024x256xf32>
    %div3A = arith.constant 1.024000e+03 : f32
    %div3A_30 = vector.broadcast %div3A : f32 to vector<1024x256xf32>
    %div3A_31 = arith.divf %dot_general3A_17, %div3A_30 : vector<1024x256xf32>
    %dot_general3A_32 = arith.constant dense<0.000000e+00> : vector<256x256xf32>
    %dot_general3A_33 = tpu.matmul %select_n3A_29, %div3A_31, %dot_general3A_32 {dimension_numbers = #tpu.dot_dimension_numbers<[0], [0], [1], [1], [0, 1, 1, 1], [], []>, transpose_lhs_hint = false} : vector<1024x256xf32>, vector<1024x256xf32>, vector<256x256xf32> -> vector<256x256xf32>
    %reduce_sum3A = arith.constant dense<0.000000e+00> : vector<256xf32>
    %reduce_sum3A_34 = vector.multi_reduction <add>, %select_n3A_29, %reduce_sum3A [0] : vector<1024x256xf32> to vector<256xf32>
    %broadcast_in_dim3A = vector.shape_cast %reduce_sum3A_34 : vector<256xf32> to vector<1x256xf32>
    %mul3A = vector.broadcast %broadcast_in_dim3A : vector<1x256xf32> to vector<1024x256xf32>
    %mul3A_35 = arith.mulf %select_n3A, %mul3A : vector<1024x256xf32>
    %reshape3A = vector.shape_cast %mul3A_35 : vector<1024x256xf32> to vector<1024x4x64xf32>
    %reduce_sum3A_36 = arith.constant dense<0.000000e+00> : vector<1024x4xf32>
    %reduce_sum3A_37 = vector.multi_reduction <add>, %reshape3A, %reduce_sum3A_36 [2] : vector<1024x4x64xf32> to vector<1024x4xf32>
    %add3A_38 = arith.constant 9.99999997E-7 : f32
    %add3A_39 = vector.broadcast %add3A_38 : f32 to vector<1024x4xf32>
    %add3A_40 = arith.addf %reduce_sum3A_37, %add3A_39 : vector<1024x4xf32>
    %div3A_41 = arith.constant 1.024000e+03 : f32
    %div3A_42 = vector.broadcast %div3A_41 : f32 to vector<1024x4xf32>
    %div3A_43 = arith.divf %div3A_42, %add3A_40 : vector<1024x4xf32>
    %slice3A = vector.extract_strided_slice %select_n3A {offsets = [0, 0], sizes = [1024, 64], strides = [1, 1]} : vector<1024x256xf32> to vector<1024x64xf32>
    %slice3A_44 = vector.extract_strided_slice %dot_general3A_33 {offsets = [0, 0], sizes = [64, 64], strides = [1, 1]} : vector<256x256xf32> to vector<64x64xf32>
    %dot_general3A_45 = arith.constant dense<0.000000e+00> : vector<1024x64xf32>
    %dot_general3A_46 = tpu.matmul %slice3A, %slice3A_44, %dot_general3A_45 {dimension_numbers = #tpu.dot_dimension_numbers<[1], [0], [0], [1], [0, 0, 1, 1], [], []>, transpose_lhs_hint = false} : vector<1024x64xf32>, vector<64x64xf32>, vector<1024x64xf32> -> vector<1024x64xf32>
    %slice3A_47 = vector.extract_strided_slice %div3A_43 {offsets = [0, 0], sizes = [1024, 1], strides = [1, 1]} : vector<1024x4xf32> to vector<1024x1xf32>
    %squeeze3A = vector.shape_cast %slice3A_47 : vector<1024x1xf32> to vector<1024xf32>
    %broadcast_in_dim3A_48 = vector.shape_cast %squeeze3A : vector<1024xf32> to vector<1024x1xf32>
    %mul3A_49 = vector.broadcast %broadcast_in_dim3A_48 : vector<1024x1xf32> to vector<1024x64xf32>
    %mul3A_50 = arith.mulf %dot_general3A_46, %mul3A_49 : vector<1024x64xf32>
    %slice3A_51 = vector.extract_strided_slice %select_n3A {offsets = [0, 64], sizes = [1024, 64], strides = [1, 1]} : vector<1024x256xf32> to vector<1024x64xf32>
    %slice3A_52 = vector.extract_strided_slice %dot_general3A_33 {offsets = [64, 64], sizes = [64, 64], strides = [1, 1]} : vector<256x256xf32> to vector<64x64xf32>
    %dot_general3A_53 = arith.constant dense<0.000000e+00> : vector<1024x64xf32>
    %dot_general3A_54 = tpu.matmul %slice3A_51, %slice3A_52, %dot_general3A_53 {dimension_numbers = #tpu.dot_dimension_numbers<[1], [0], [0], [1], [0, 0, 1, 1], [], []>, transpose_lhs_hint = false} : vector<1024x64xf32>, vector<64x64xf32>, vector<1024x64xf32> -> vector<1024x64xf32>
    %slice3A_55 = vector.extract_strided_slice %div3A_43 {offsets = [0, 1], sizes = [1024, 1], strides = [1, 1]} : vector<1024x4xf32> to vector<1024x1xf32>
    %squeeze3A_56 = vector.shape_cast %slice3A_55 : vector<1024x1xf32> to vector<1024xf32>
    %broadcast_in_dim3A_57 = vector.shape_cast %squeeze3A_56 : vector<1024xf32> to vector<1024x1xf32>
    %mul3A_58 = vector.broadcast %broadcast_in_dim3A_57 : vector<1024x1xf32> to vector<1024x64xf32>
    %mul3A_59 = arith.mulf %dot_general3A_54, %mul3A_58 : vector<1024x64xf32>
    %slice3A_60 = vector.extract_strided_slice %select_n3A {offsets = [0, 128], sizes = [1024, 64], strides = [1, 1]} : vector<1024x256xf32> to vector<1024x64xf32>
    %slice3A_61 = vector.extract_strided_slice %dot_general3A_33 {offsets = [128, 128], sizes = [64, 64], strides = [1, 1]} : vector<256x256xf32> to vector<64x64xf32>
    %dot_general3A_62 = arith.constant dense<0.000000e+00> : vector<1024x64xf32>
    %dot_general3A_63 = tpu.matmul %slice3A_60, %slice3A_61, %dot_general3A_62 {dimension_numbers = #tpu.dot_dimension_numbers<[1], [0], [0], [1], [0, 0, 1, 1], [], []>, transpose_lhs_hint = false} : vector<1024x64xf32>, vector<64x64xf32>, vector<1024x64xf32> -> vector<1024x64xf32>
    %slice3A_64 = vector.extract_strided_slice %div3A_43 {offsets = [0, 2], sizes = [1024, 1], strides = [1, 1]} : vector<1024x4xf32> to vector<1024x1xf32>
    %squeeze3A_65 = vector.shape_cast %slice3A_64 : vector<1024x1xf32> to vector<1024xf32>
    %broadcast_in_dim3A_66 = vector.shape_cast %squeeze3A_65 : vector<1024xf32> to vector<1024x1xf32>
    %mul3A_67 = vector.broadcast %broadcast_in_dim3A_66 : vector<1024x1xf32> to vector<1024x64xf32>
    %mul3A_68 = arith.mulf %dot_general3A_63, %mul3A_67 : vector<1024x64xf32>
    %slice3A_69 = vector.extract_strided_slice %select_n3A {offsets = [0, 192], sizes = [1024, 64], strides = [1, 1]} : vector<1024x256xf32> to vector<1024x64xf32>
    %slice3A_70 = vector.extract_strided_slice %dot_general3A_33 {offsets = [192, 192], sizes = [64, 64], strides = [1, 1]} : vector<256x256xf32> to vector<64x64xf32>
    %dot_general3A_71 = arith.constant dense<0.000000e+00> : vector<1024x64xf32>
    %dot_general3A_72 = tpu.matmul %slice3A_69, %slice3A_70, %dot_general3A_71 {dimension_numbers = #tpu.dot_dimension_numbers<[1], [0], [0], [1], [0, 0, 1, 1], [], []>, transpose_lhs_hint = false} : vector<1024x64xf32>, vector<64x64xf32>, vector<1024x64xf32> -> vector<1024x64xf32>
    %slice3A_73 = vector.extract_strided_slice %div3A_43 {offsets = [0, 3], sizes = [1024, 1], strides = [1, 1]} : vector<1024x4xf32> to vector<1024x1xf32>
    %squeeze3A_74 = vector.shape_cast %slice3A_73 : vector<1024x1xf32> to vector<1024xf32>
    %broadcast_in_dim3A_75 = vector.shape_cast %squeeze3A_74 : vector<1024xf32> to vector<1024x1xf32>
    %mul3A_76 = vector.broadcast %broadcast_in_dim3A_75 : vector<1024x1xf32> to vector<1024x64xf32>
    %mul3A_77 = arith.mulf %dot_general3A_72, %mul3A_76 : vector<1024x64xf32>
    %concatenate3A = tpu.concatenate %mul3A_50, %mul3A_59, %mul3A_68, %mul3A_77 in 1 : vector<1024x64xf32>, vector<1024x64xf32>, vector<1024x64xf32>, vector<1024x64xf32> -> vector<1024x256xf32>
    %get3A_78 = arith.constant 0 : index
    %get3A_79 = arith.constant 0 : index
    %get3A_80 = vector.load %arg5[%get3A_78, %get3A_79] : memref<256x256xf32, #tpu.memory_space<vmem>>, vector<256x256xf32>
    %dot_general3A_81 = arith.constant dense<0.000000e+00> : vector<1024x256xf32>
    %dot_general3A_82 = tpu.matmul %concatenate3A, %get3A_80, %dot_general3A_81 {dimension_numbers = #tpu.dot_dimension_numbers<[1], [0], [0], [1], [0, 0, 1, 1], [], []>, transpose_lhs_hint = false} : vector<1024x256xf32>, vector<256x256xf32>, vector<1024x256xf32> -> vector<1024x256xf32>
    %get3A_83 = arith.constant 0 : index
    %get3A_84 = arith.constant 0 : index
    %get3A_85 = vector.load %arg6[%get3A_83, %get3A_84] : memref<1x256xf32, #tpu.memory_space<vmem>>, vector<1x256xf32>
    %add3A_86 = vector.broadcast %get3A_85 : vector<1x256xf32> to vector<1024x256xf32>
    %add3A_87 = arith.addf %dot_general3A_82, %add3A_86 : vector<1024x256xf32>
    %swap3A = arith.constant 0 : index
    %swap3A_88 = arith.constant 0 : index
    %swap3A_89 = arith.constant 0 : index
    %swap3A_90 = vector.load %arg7[%swap3A, %swap3A_88, %swap3A_89] : memref<1x1024x256xf32, #tpu.memory_space<vmem>>, vector<1x1024x256xf32>
    %swap3A_91 = vector.shape_cast %swap3A_90 : vector<1x1024x256xf32> to vector<1024x256xf32>
    %swap3A_92 = vector.shape_cast %add3A_87 : vector<1024x256xf32> to vector<1x1024x256xf32>
    tpu.vector_store %arg7[%swap3A, %swap3A_88, %swap3A_89], %swap3A_92 {strides = array<i32>} : memref<1x1024x256xf32, #tpu.memory_space<vmem>>, vector<1x1024x256xf32>,
    return
  }
  func.func @transform_0(%arg0: i32) -> (i32, i32, i32) {
    %c0_i32 = arith.constant 0 : i32
    %c0_i32_0 = arith.constant 0 : i32
    %c0_i32_1 = arith.constant 0 : i32
    return %arg0, %c0_i32, %c0_i32_0 : i32, i32, i32
  }
  func.func @transform_1(%arg0: i32) -> (i32, i32) {
    %c0_i32 = arith.constant 0 : i32
    %c0_i32_0 = arith.constant 0 : i32
    %c0_i32_1 = arith.constant 0 : i32
    return %c0_i32, %c0_i32_0 : i32, i32
  }
  func.func @transform_2(%arg0: i32) -> (i32, i32) {
    %c0_i32 = arith.constant 0 : i32
    %c0_i32_0 = arith.constant 0 : i32
    %c0_i32_1 = arith.constant 0 : i32
    return %c0_i32, %c0_i32_0 : i32, i32
  }
  func.func @transform_3(%arg0: i32) -> (i32, i32) {
    %c0_i32 = arith.constant 0 : i32
    %c0_i32_0 = arith.constant 0 : i32
    %c0_i32_1 = arith.constant 0 : i32
    return %c0_i32, %c0_i32_0 : i32, i32
  }
  func.func @transform_4(%arg0: i32) -> (i32, i32) {
    %c0_i32 = arith.constant 0 : i32
    %c0_i32_0 = arith.constant 0 : i32
    %c0_i32_1 = arith.constant 0 : i32
    return %c0_i32, %c0_i32_0 : i32, i32
  }
  func.func @transform_5(%arg0: i32) -> (i32, i32) {
    %c0_i32 = arith.constant 0 : i32
    %c0_i32_0 = arith.constant 0 : i32
    %c0_i32_1 = arith.constant 0 : i32
    return %c0_i32, %c0_i32_0 : i32, i32
  }
  func.func @transform_6(%arg0: i32) -> (i32, i32, i32) {
    %c0_i32 = arith.constant 0 : i32
    %c0_i32_0 = arith.constant 0 : i32
    %c0_i32_1 = arith.constant 0 : i32
    return %arg0, %c0_i32, %c0_i32_0 : i32, i32, i32
  }
}

</mosaic_0001>

<sc_bundles>
// kernel: kernel.7.cloned.1.call-start
scs
__scs_entry_jumppad:
0x0: {  	(pc) =	sbr.rel $0x88, $3  }
0x1: {  	(tag) =	ssettag $0x0;
	lr =	simm.s32 $0x1  }
0x2: {  	[smem:$0x3F90] =	sst lr;
	_ =	strace $0xD0000000  }
0x3: {  	_ = 	snop  }
0x4: {  	_ = 	snop  }
0x5: {  	_ = 	snop  }
0x6: {  	_ = 	snop  }
0x7: {  	_ = 	snop  }
__scs_overlays_trampoline_lowered:
0x8: {  	[smem:$0x3F9F] =	sst s0  }
0x9: {  	[smem:$0x3FA0] =	sst s1  }
0xa: {  	[smem:$0x3FA1] =	sst s2  }
0xb: {  	[smem:$0x3FA2] =	sst s3  }
0xc: {  	[smem:$0x3FA3] =	sst s4  }
0xd: {  	[smem:$0x3FA4] =	sst s5  }
0xe: {  	[smem:$0x3FA5] =	sst s6  }
0xf: {  	[smem:$0x3FA6] =	sst s7  }
0x10: {  	[smem:$0x3FA7] =	sst s8  }
0x11: {  	[smem:$0x3FA8] =	sst s9;
	s0 =	simm.s32 @!p0 $0x0  }
0x12: {  	s1 =	sld [smem:$0x3F8E];
	s0 =	simm.s32 @p0 $0x1  }
0x13: {  	[smem:$0x3FA9] =	sst s0;
	s0 =	simm.s32 @!p1 $0x0  }
0x14: {  	s2 =	sld [smem:$0x3F8D];
	s0 =	simm.s32 @p1 $0x1  }
0x15: {  	[smem:$0x3FAA] =	sst s0;
	s0 =	simm.s32 @!p2 $0x0  }
0x16: {  	s3 =	sld [smem:$0x3FDB];
	s0 =	simm.s32 @p2 $0x1  }
0x17: {  	s4 =	simm.s32 $0x1BF5;
	[smem:$0x3FAC] =	sst s0  }
0x18: {  	s0 =	sld [smem:$0x3F8F];
	_ =	swait.ge [sflag:s4], $0x0  }
0x19: {  	s7 =	sld [smem:$0x3F90]  }
0x1a: {  	s8 =	sadd.s32 $0xFFFFE003, lr  }
0x1b: {  	s9 =	sadd.s32 $0xFFFFFEF7, lr;
	s5 =	simm.s32 $0xFFFFFFFF;
	p2 =	slt.u32 s8, $0xFFFFF086  }
0x1c: {  	p1 =	slt.u32 s9, $0xF7A;
	s5 =	simm.s32 @!p2 $0x0  }
0x1d: {  	s5 =	simm.s32 @p1 $0x1;
	p0 =	seq.s32 s7, s2  }
0x1e: {  	s7 =	smul.u32 @!p0 $0xF7A, s2;
	p2 =	seq.s32 @!p0 s5, $0x0  }
0x1f: {  	s9 =	smul.u32 $0xF7A, s1;
	s8 =	simm.s32 @!p0 $0x1BF5;
	p2 =	por !p2, p0  }
0x20: {  	[sflag:s8] =	ssyncset.s32 @!p0 $0xFFFFF086;
	s6 =	sadd.s32 @!p0 s3, s7;
	s7 =	simm.s32 @!p0 $0x108  }
0x21: {  	s3 =	sadd.s32 s3, s9;
	s6 =	sadd.s32 @!p0 $0x88, s6;
	s7 =	simm.s32 @p2 $0x1082  }
0x22: {  	[simem:s7], [sflag:s8] =	dma.local @!p0 [hbm:s6], $0xF7A  }
0x23: {  	s9 =	sor.u32 $0xD0000000, s2;
	s6 =	simm.s32 $0x108;
	_ =	swait.ge @!p0 [sflag:s8], $0x0  }
0x24: {  	s3 =	sadd.s32 $0x88, s3;
	s6 =	simm.s32 @!p1 $0x1082;
	[sflag:s4] =	ssyncset.s32 $0xFFFFF086  }
0x25: {  	[simem:s6], [sflag:s4] =	dma.local [hbm:s3], $0xF7A  }
0x26: {  	[smem:$0x3F90] =	sst s1;
	(tag) =	ssettag s2;
	_ =	strace s9  }
0x27: {  	s1 =	sld [smem:$0x3FA0]  }
0x28: {  	s2 =	sld [smem:$0x3FA1]  }
0x29: {  	s4 =	sld [smem:$0x3FA3]  }
0x2a: {  	p0 =	seq.s32 s5, $0x0;
	s5 =	sld [smem:$0x3FA4]  }
0x2b: {  	s6 =	sld [smem:$0x3FA5]  }
0x2c: {  	s7 =	sld [smem:$0x3FA6]  }
0x2d: {  	s3 =	simm.s32 $0x108;
	s8 =	sld [smem:$0x3FA7]  }
0x2e: {  	s3 =	simm.s32 @!p0 $0x1082;
	s9 =	sld [smem:$0x3FA8]  }
0x2f: {  	lr =	sadd.s32 s0, s3;
	s0 =	sld [smem:$0x3F9F]  }
0x30: {  	s3 =	sld [smem:$0x3FA2]  }
0x31: {  	[smem:$0x3FAB] =	sst s10  }
0x32: {  	s10 =	sld [smem:$0x3FA9];
	_ =	sdelay $0x3  }
0x33: {  	p0 =	seq.s32 s10, $0x1;
	s10 =	sld [smem:$0x3FAB];
	_ =	sdelay $0x3  }
0x34: {  	[smem:$0x3FAB] =	sst s10  }
0x35: {  	s10 =	sld [smem:$0x3FAA];
	_ =	sdelay $0x3  }
0x36: {  	p1 =	seq.s32 s10, $0x1;
	s10 =	sld [smem:$0x3FAB];
	_ =	sdelay $0x3  }
0x37: {  	[smem:$0x3FAB] =	sst s10  }
0x38: {  	s10 =	sld [smem:$0x3FAC]  }
0x39: {  	_ = 	snop;
	(pc) =	sbr.ind lr, $3  }
0x3a: {  	_ = 	snop  }
0x3b: {  	_ = 	snop  }
0x3c: {  	p2 =	seq.s32 s10, $0x1;
	s10 =	sld [smem:$0x3FAB]  }
0x3d: {  	_ =	shalt  }
0x3e: {  	_ =	shalt  }
0x3f: {  	_ =	shalt  }
0x40: {  	_ =	shalt  }
0x41: {  	_ =	shalt  }
0x42: {  	_ =	shalt  }
0x43: {  	_ =	shalt  }
0x44: {  	_ =	shalt  }
0x45: {  	_ =	shalt  }
0x46: {  	_ =	shalt  }
0x47: {  	_ =	shalt  }
0x48: {  	_ =	shalt  }
0x49: {  	_ =	shalt  }
0x4a: {  	_ =	shalt  }
0x4b: {  	_ =	shalt  }
0x4c: {  	_ =	shalt  }
0x4d: {  	_ =	shalt  }
0x4e: {  	_ =	shalt  }
0x4f: {  	_ =	shalt  }
0x50: {  	_ =	shalt  }
0x51: {  	_ =	shalt  }
0x52: {  	_ =	shalt  }
0x53: {  	_ =	shalt  }
0x54: {  	_ =	shalt  }
0x55: {  	_ =	shalt  }
0x56: {  	_ =	shalt  }
0x57: {  	_ =	shalt  }
0x58: {  	_ =	shalt  }
0x59: {  	_ =	shalt  }
0x5a: {  	_ =	shalt  }
0x5b: {  	_ =	shalt  }
0x5c: {  	_ =	shalt  }
0x5d: {  	_ =	shalt  }
0x5e: {  	_ =	shalt  }
0x5f: {  	_ =	shalt  }
0x60: {  	_ =	shalt  }
0x61: {  	_ =	shalt  }
0x62: {  	_ =	shalt  }
0x63: {  	_ =	shalt  }
0x64: {  	_ =	shalt  }
0x65: {  	_ =	shalt  }
0x66: {  	_ =	shalt  }
0x67: {  	_ =	shalt  }
0x68: {  	_ =	shalt  }
0x69: {  	_ =	shalt  }
0x6a: {  	_ =	shalt  }
0x6b: {  	_ =	shalt  }
0x6c: {  	_ =	shalt  }
0x6d: {  	_ =	shalt  }
0x6e: {  	_ =	shalt  }
0x6f: {  	_ =	shalt  }
0x70: {  	_ =	shalt  }
0x71: {  	_ =	shalt  }
0x72: {  	_ =	shalt  }
0x73: {  	_ =	shalt  }
0x74: {  	_ =	shalt  }
0x75: {  	_ =	shalt  }
0x76: {  	_ =	shalt  }
0x77: {  	_ =	shalt  }
0x78: {  	_ =	shalt  }
0x79: {  	_ =	shalt  }
0x7a: {  	_ =	shalt  }
0x7b: {  	_ =	shalt  }
0x7c: {  	_ =	shalt  }
0x7d: {  	_ =	shalt  }
0x7e: {  	_ =	shalt  }
0x7f: {  	_ =	shalt  }
0x80: {  	_ =	shalt  }
0x81: {  	_ =	shalt  }
0x82: {  	_ =	shalt  }
0x83: {  	_ =	shalt  }
0x84: {  	_ =	shalt  }
0x85: {  	_ =	shalt  }
0x86: {  	_ =	shalt  }
0x87: {  	_ =	shalt  }
.Lfunc_end0:
.L_simem_size_0:
called_computation_lowered:
.L_overlay_start_0:
0x88: {  	s2 =	sld [smem:$0x3FD9]  }
0x89: {  	s3 =	sld [smem:$0x3FFE];
	_ =	sdelay $0x1  }
0x8a: {  	s1 =	srdreg.scid  }
0x8b: {  	s0 =	sand.u32 $0x1, s1  }
0x8c: {  	s16 =	sshll.u32 s0, $0xA;
	s2 =	sadd.s32 s3, s2  }
0x8d: {  	s2 =	sadd.s32 s2, s16  }
0x8e: {  	[smem:$0x3FB7] =	sst s2  }
0x8f: {  	_ = 	snop  }
0x90: {  	(tm) =	ssettm $0x1  }
0x91: {  	s17 =	sld [smem:$0x3FFB];
	_ =	sdelay $0x3  }
0x92: {  	_ =	strace s17  }
0x93: {  	s2 =	sld [smem:$0x3FFC];
	_ =	sdelay $0x3  }
0x94: {  	_ =	strace s2  }
0x95: {  	s2 =	sld [smem:$0x3FFD];
	_ =	sdelay $0x3  }
0x96: {  	_ =	strace s2  }
0x97: {  	_ =	strace $0x8FFFFFFF  }
0x98: {  	s18 =	sld [smem:$0x3FDB];
	_ =	sdelay $0x1  }
0x99: {  	s19 =	simm.s32 $_scs_section_size  }
0x9a: {  	s4 =	simm.s32 $_size__tile_overlayer_lowered;
	s5 =	simm.s32 $_tile_overlayer_lowered  }
0x9b: {  	s22 =	simm.s32 $0x1BFF;
	s21 =	sshll.u32 s5, $0x1;
	s2 =	sadd.s32 s19, s18  }
0x9c: {  	s6 =	simm.s32 $0x0;
	s20 =	sshll.u32 s4, $0x1;
	s4 =	sadd.s32 s21, s2  }
0x9d: {  	[timem:s6], [sflag:s22] =	dma.local [hbm:s4], s20  }
0x9e: {  	_ =	swait.ge [sflag:s22], s20  }
0x9f: {  	s3 =	ssub.s32 $0x0, s20;
	[sflag:s22] =	ssyncset.done $0x0  }
0xa0: {  	[sflag:s22] =	ssyncadd.s32 s3;
	_ =	sdelay $0x1  }
0xa1: {  	s23 =	simm.s32 $0x1B8B  }
0xa2: {  	_ =	swait.ge [sflag:s23], $0x1  }
0xa3: {  	[sflag:s23] =	ssyncset.done $0x0  }
0xa4: {  	s25 =	simm.s32 $0x1B8E;
	s24 =	sld [smem:$0x3FFE];
	[sflag:s23] =	ssyncadd.s32 $0xFFFFFFFF  }
0xa5: {  	s26 =	simm.s32 $execute0_lowered;
	[smem:$0x3FD2] =	sst s25  }
0xa6: {  	s4 =	sshll.u32 s26, $0x1;
	_ =	strace $0x80000046;
	[dreg:$0x1] =	wrdreg $0xFFFFFFFF  }
0xa7: {  	s28 =	simm.s32 $_size_execute0_lowered;
	s2 =	sadd.s32 s2, s4;
	[dreg:$0x0] =	wrdreg $0x0  }
0xa8: {  	s4 =	sshll.u32 s28, $0x1;
	[dreg:$0x2] =	wrdreg s2  }
0xa9: {  	[dreg:$0x3] =	wrdreg s4  }
0xaa: {  	[dreg:$0x4] =	wrdreg $0xC0  }
0xab: {  	_ =	task [dreg:s6], $0x5FFFF  }
0xac: {  	[dreg:$0x1] =	wrdreg $0xFFFFFFFF  }
0xad: {  	[dreg:$0x0] =	wrdreg $0x60  }
0xae: {  	[dreg:$0x2] =	wrdreg s24  }
0xaf: {  	[dreg:$0x3] =	wrdreg $0x9  }
0xb0: {  	_ =	task.clear_ibuf [dreg:s6], $0x4FFFF;
	_ =	strace $0x90000046  }
0xb1: {  	s29 =	simm.s32 $0x9;
	_ =	strace $0x80000048  }
0xb2: {  	_ =	swait.ge [sflag:s29], $0x1  }
0xb3: {  	[sflag:s29] =	ssyncadd.s32 $0xFFFFFFFF  }
0xb4: {  	_ =	strace $0x90000048  }
0xb5: {  	_ =	sfence  }
0xb6: {  	s30 =	sld [smem:$0x0];
	_ =	sdelay $0x2  }
0xb7: {  	s31 =	sshll.u32 s1, $0xD;
	s1 =	sshrl.u32 s1, $0x2  }
0xb8: {  	s3 =	sand.u32 $0x4000, s31;
	s1 =	sadd.s32 s1, s30  }
0xb9: {  	s0 =	sor.u32 s3, s0;
	s1 =	sshll.u32 s1, $0x11  }
0xba: {  	s0 =	sor.u32 s1, s0  }
0xbb: {  	s0 =	sadd.s32 $0x8F2B, s0  }
0xbc: {  	[sflag:s0] =	ssyncadd.remote.s32 $0x1  }
0xbd: {  	_ =	sfence.sel $0xFFFF  }
0xbe: {  	[dreg:$0x0] =	wrdreg $0xFFFFFFFF;
	(pc) =	sbr.abs _section_cstart, $3  }
0xbf: {  	[dreg:$0x1] =	wrdreg $0xFFFFFFFF  }
0xc0: {  	_ =	task.clear_ibuf [dreg:s6], $0x2FFFF;
	_ =	strace $0x9FFFFFFF  }
0xc1: {  	(tm) =	ssettm $0x7FFFFFFF  }
tec
execute0_lowered:
.L_overlay_start_1:
0x0: {  	(tag) =	ssettag $0x1  }
0x1: {  	s4 =	rddreg [dreg:$0x0]  }
0x2: {  	s0 =	rddreg [dreg:$0x1];
	s2 =	simm.s32 $0x0;
	s3 =	srdreg.scid  }
0x3: {  	s1 =	stileid.u32;
	s10 =	simm.s32 $0x0;
	[smem:$0x7FF] =	sst s2  }
0x4: {  	s5 =	sand.u32 $0x1, s3;
	s6 =	sshll.u32 s1, $0xE;
	s3 =	sadd.s32 $0x4400, s4  }
0x5: {  	s8 =	sshll.u32 s1, $0x12;
	_ =	strace $0x80000047;
	s7 =	sshll.u32 s5, $0xD  }
0x6: {  	s31 =	ssub.s32 $0x2, s5;
	s8 =	sadd.s32 s8, s4;
	s5 =	sshll.u32 s5, $0x11  }
0x7: {  	s6 =	sor.u32 s7, s6;
	s9 =	sshrl.u32 s31, $0x1;
	s5 =	sadd.s32 s5, s8  }
0x8: {  	s8 =	simm.s32 $0x80;
	s6 =	sshrl.u32 s6, $0x3;
	s7 =	ssub.s32 s31, s9  }
0x9: {  	s5 =	sadd.s32 $0x10C400, s5;
	s9 =	simm.s32 $0x1;
	s6 =	sadd.s32 s6, s4  }
0xa: {  	s4 =	smax.u32 s7, $0x1;
	s7 =	simm.s32 $0x2;
	s6 =	sadd.s32 $0x104400, s6  }
.LBB2_1:
0xb: {  	s11 =	sadd.s32 $0x0, s6  }
0xc: {  	[tilespmem:s2], [sflag:$0x2] =	stream.linear.gather [hbm4b:s11+s2], $0x80, $0x38;
	[tilespmem:$0x4080] =	vst v63  }
0xd: {  	_ =	swait.ge [sflag:s7], $0x80  }
0xe: {  	[sflag:s7] =	ssyncset.done $0x0  }
0xf: {  	[sflag:s7] =	ssyncadd.s32 $0xFFFFFF80  }
0x10: {  	[tilespmem:s8], [sflag:$0x1] =	stream.indirect.gather [hbm4b:s3+s8], $0x80, s2, s8, $0xb8;
	[tilespmem:$0x4080] =	vst v63  }
0x11: {  	_ =	swait.ge [sflag:s9], $0x4000  }
0x12: {  	[sflag:s9] =	ssyncset.done $0x0  }
0x13: {  	[sflag:s9] =	ssyncadd.s32 $0xFFFFC000  }
0x14: {  	[hbm4b:s5+s2] =	stream.linear.scatter [tilespmem:s8], [sflag:$0x2], $0x4000, $0x38;
	[tilespmem:$0x4080] =	vst v63  }
0x15: {  	s12 =	simm.s32 $0x10;
	_ =	swait.ge [sflag:s7], $0x4000  }
0x16: {  	s13 =	simm.s32 $0x20;
	s11 =	sadd.s32 $0x800, s5;
	[sflag:s7] =	ssyncset.done $0x0  }
.LBB2_2:
0x17: {  	s14 =	sadd.s32 s12, s6  }
0x18: {  	[sflag:s7] =	ssyncadd.s32 $0xFFFFC000;
	s12 =	smov.u32 s13;
	s15 =	sadd.s32 $0x10, s13  }
0x19: {  	[tilespmem:s2], [sflag:$0x2] =	stream.linear.gather [hbm4b:s14+s2], $0x80, $0x38;
	[tilespmem:$0x4080] =	vst v63  }
0x1a: {  	p0 =	sne.s32 s13, $0x3F0;
	_ =	swait.ge [sflag:s7], $0x80  }
0x1b: {  	[sflag:s7] =	ssyncset.done $0x0  }
0x1c: {  	[sflag:s7] =	ssyncadd.s32 $0xFFFFFF80  }
0x1d: {  	[tilespmem:s8], [sflag:$0x1] =	stream.indirect.gather [hbm4b:s3+s8], $0x80, s2, s8, $0xb8;
	[tilespmem:$0x4080] =	vst v63  }
0x1e: {  	_ =	swait.ge [sflag:s9], $0x4000  }
.Ltmp0:
0x1f: {  	[sflag:s9] =	ssyncset.done $0x0;
	(pc) =	sbr.rel @p0 .LBB2_2-.Ltmp0, $4  }
0x20: {  	[sflag:s9] =	ssyncadd.s32 $0xFFFFC000  }
0x21: {  	[hbm4b:s11+s2] =	stream.linear.scatter [tilespmem:s8], [sflag:$0x2], $0x4000, $0x38;
	[tilespmem:$0x4080] =	vst v63  }
0x22: {  	_ =	swait.ge [sflag:s7], $0x4000  }
0x23: {  	s13 =	smov.u32 s15;
	s11 =	sadd.s32 $0x800, s11;
	[sflag:s7] =	ssyncset.done $0x0  }
0x24: {  	s12 =	sadd.s32 s12, s6;
	[sflag:s7] =	ssyncadd.s32 $0xFFFFC000  }
0x25: {  	[tilespmem:s2], [sflag:$0x2] =	stream.linear.gather [hbm4b:s12+s2], $0x80, $0x38;
	[tilespmem:$0x4080] =	vst v63  }
0x26: {  	_ =	swait.ge [sflag:s7], $0x80  }
0x27: {  	[sflag:s7] =	ssyncset.done $0x0  }
0x28: {  	[sflag:s7] =	ssyncadd.s32 $0xFFFFFF80  }
0x29: {  	[tilespmem:s8], [sflag:$0x1] =	stream.indirect.gather [hbm4b:s3+s8], $0x80, s2, s8, $0xb8;
	[tilespmem:$0x4080] =	vst v63  }
0x2a: {  	s10 =	sadd.s32 $0x1, s10;
	_ =	swait.ge [sflag:s9], $0x4000  }
0x2b: {  	p0 =	sne.s32 s10, s4;
	[sflag:s9] =	ssyncset.done $0x0  }
.Ltmp1:
0x2c: {  	[sflag:s9] =	ssyncadd.s32 $0xFFFFC000;
	(pc) =	sbr.rel @p0 .LBB2_1-.Ltmp1, $4  }
0x2d: {  	[hbm4b:s11+s2] =	stream.linear.scatter [tilespmem:s8], [sflag:$0x2], $0x4000, $0x38;
	[tilespmem:$0x4080] =	vst v63  }
0x2e: {  	_ =	swait.ge [sflag:s7], $0x4000  }
0x2f: {  	[sflag:s7] =	ssyncset.done $0x0  }
0x30: {  	[sflag:s7] =	ssyncadd.s32 $0xFFFFC000  }
0x31: {  	_ =	sfence.sel $0x180000  }
0x32: {  	[bflag:$0x0] =	sbarrier.arrive $0xFFFF  }
0x33: {  	p0 =	sne.s32 s1, $0x0;
	_ =	strace $0x90000047  }
0x34: {  	s0 =	sadd.s32 @!p0 $0x100000, s0;
	[bflag:$0x2] =	sbarrier.arrive $0xFFFF  }
0x35: {  	[sflag:s0] =	ssyncadd.tile.s32 @!p0 $0x1;
	_ =	shalt  }
.Lfunc_end2:
_tile_overlayer_lowered:
.L_overlay_start_2:
0x36: {  	(tag) =	ssettag $0x2  }
0x37: {  	s0 =	rddreg [dreg:$0x0];
	s2 =	stileid.u32  }
0x38: {  	s1 =	rddreg [dreg:$0x1];
	p0 =	sne.s32 s2, $0x0  }
0x39: {  	s3 =	rddreg [dreg:$0x2];
	[bflag:$0x3] =	sbarrier.arrive $0xFFFF;
	s2 =	simm.s32 @!p0 $0x1C02  }
0x3a: {  	[timem:s3], [sflag:s2] =	dma.local @!p0 [hbm:s0], s1  }
0x3b: {  	s0 =	simm.s32 @!p0 $0x2  }
0x3c: {  	_ =	swait.ge @!p0 [sflag:s0], s1  }
0x3d: {  	s1 =	ssub.s32 @!p0 $0x0, s1;
	[sflag:s0] =	ssyncset.done @!p0 $0x0  }
0x3e: {  	[sflag:s0] =	ssyncadd.s32 @!p0 s1  }
0x3f: {  	[bflag:$0x3] =	sbarrier.arrive $0xFFFF  }
0x40: {  	_ =	shalt  }

</sc_bundles>
